<compile_context>
chip_gen: v7x
topology: tpu7x:2x2x1
jax: 0.10.2.dev20260603
libtpu: 0.0.44.dev20260713+nightly
codegen_flags: <defaults>
</compile_context>

<pallas_src>
import functools

import jax
import jax.numpy as jnp
from jax import lax
from jax.experimental import pallas as pl
from jax.experimental.pallas import tpu as pltpu
from jax.experimental.pallas import tpu_sc as plsc

_N = 10000
_E = 320000
_D = 128
_NC = 2
_NS = 16
_NW = _NC * _NS
_EPW = _E // _NW
_CH = 128
_EPT = 10240
_PAD = _EPT - _EPW
_NCH = _EPT // _CH
_NP = 10240
_RPT = _NP // _NS

_BR = 1000


def _sc_segment_sum(h, src_r, dst_r, zeros):
    mesh = plsc.VectorSubcoreMesh(core_axis_name="c", subcore_axis_name="s")

    @functools.partial(
        pl.kernel,
        out_type=jax.ShapeDtypeStruct((_NC, _NP, _D), jnp.float32),
        mesh=mesh,
        scratch_types=[
            pltpu.VMEM((_EPT,), jnp.int32),
            pltpu.VMEM((_NCH, _CH), jnp.int32),
            pltpu.VMEM((_CH, _D), jnp.float32),
            pltpu.VMEM_SHARED((_NP, _D), jnp.float32),
            pltpu.SemaphoreType.DMA,
            pltpu.SemaphoreType.DMA,
        ],
    )
    def k(h_hbm, src_hbm, dst_hbm, zero_hbm, out_hbm,
          src_v, dst_v, rows_v, agg_s, semz, semd):
        c = lax.axis_index("c")
        s = lax.axis_index("s")
        wid = c * _NS + s
        cp_z = pltpu.async_copy(zero_hbm.at[pl.ds(s * _RPT, _RPT)],
                                agg_s.at[pl.ds(s * _RPT, _RPT)], semz)
        cp_d = pltpu.async_copy(dst_hbm.at[wid], dst_v, semd)
        pltpu.sync_copy(src_hbm.at[wid], src_v)
        cp_z.wait()
        cp_d.wait()
        plsc.subcore_barrier()

        @pl.loop(0, _NCH)
        def _(ci):
            pltpu.sync_copy(h_hbm.at[src_v.at[pl.ds(ci * _CH, _CH)]], rows_v)
            pltpu.sync_copy(rows_v, agg_s.at[dst_v.at[ci]], add=True)

        plsc.subcore_barrier()
        pltpu.sync_copy(agg_s.at[pl.ds(s * _RPT, _RPT)],
                        out_hbm.at[c, pl.ds(s * _RPT, _RPT)])

    return k(h, src_r, dst_r, zeros)


def _mlp_body(h_ref, a_ref, w1_ref, b1_ref, w2_ref, b2_ref, o_ref):
    z = h_ref[...] + a_ref[0] + a_ref[1]
    t = jnp.dot(z, w1_ref[...], preferred_element_type=jnp.float32)
    t = jnp.maximum(t + b1_ref[...], 0.0)
    u = jnp.dot(t, w2_ref[...], preferred_element_type=jnp.float32)
    o_ref[...] = jnp.maximum(u + b2_ref[...], 0.0)


def _mlp_pool_body(h_ref, a_ref, w1_ref, b1_ref, w2_ref, b2_ref, o_ref):
    z = h_ref[...] + a_ref[0] + a_ref[1]
    t = jnp.dot(z, w1_ref[...], preferred_element_type=jnp.float32)
    t = jnp.maximum(t + b1_ref[...], 0.0)
    u = jnp.dot(t, w2_ref[...], preferred_element_type=jnp.float32)
    h2 = jnp.maximum(u + b2_ref[...], 0.0)

    @pl.when(pl.program_id(0) == 0)
    def _():
        o_ref[...] = jnp.zeros_like(o_ref)

    o_ref[...] += jnp.sum(h2, axis=0, keepdims=True) * (1.0 / _N)


_IN_SPECS = [
    pl.BlockSpec((_BR, _D), lambda i: (i, 0)),
    pl.BlockSpec((_NC, _BR, _D), lambda i: (0, i, 0)),
    pl.BlockSpec((_D, _D), lambda i: (0, 0)),
    pl.BlockSpec((1, _D), lambda i: (0, 0)),
    pl.BlockSpec((_D, _D), lambda i: (0, 0)),
    pl.BlockSpec((1, _D), lambda i: (0, 0)),
]


def _mlp_layer(h, agg, w1, b1, w2, b2):
    return pl.pallas_call(
        _mlp_body,
        grid=(_N // _BR,),
        in_specs=_IN_SPECS,
        out_specs=pl.BlockSpec((_BR, _D), lambda i: (i, 0)),
        out_shape=jax.ShapeDtypeStruct((_N, _D), jnp.float32),
    )(h, agg, w1, b1.reshape(1, _D), w2, b2.reshape(1, _D))


def _mlp_pool_layer(h, agg, w1, b1, w2, b2):
    return pl.pallas_call(
        _mlp_pool_body,
        grid=(_N // _BR,),
        in_specs=_IN_SPECS,
        out_specs=pl.BlockSpec((1, _D), lambda i: (0, 0)),
        out_shape=jax.ShapeDtypeStruct((1, _D), jnp.float32),
    )(h, agg, w1, b1.reshape(1, _D), w2, b2.reshape(1, _D))


def kernel(x, edge_index, W1_0, b1_0, W2_0, b2_0, W1_1, b1_1, W2_1, b2_1):
    src_r = jnp.pad(edge_index[0].reshape(_NW, _EPW), ((0, 0), (0, _PAD)))
    pad_dst = jnp.broadcast_to(_N + jnp.arange(_PAD, dtype=jnp.int32),
                               (_NW, _PAD))
    dst_r = jnp.concatenate(
        [edge_index[1].reshape(_NW, _EPW), pad_dst],
        axis=1).reshape(_NW, _NCH, _CH)
    zeros = jnp.zeros((_NP, _D), jnp.float32)
    agg1 = _sc_segment_sum(x, src_r, dst_r, zeros)
    h1 = _mlp_layer(x, agg1, W1_0, b1_0, W2_0, b2_0)
    agg2 = _sc_segment_sum(h1, src_r, dst_r, zeros)
    return _mlp_pool_layer(h1, agg2, W1_1, b1_1, W2_1, b2_1)

# --- scband reference (transcript-rebuilt; emitter-appended) ---
"""Pipeline reference for scband-road-gnn-19335942767127 (READ-ONLY COPY).

The authoritative reference and input builder live on the scoring server;
editing this copy changes nothing except your own understanding.
"""

import jax, jax.numpy as jnp
import numpy as np

N = 10000
E = 320000
D = 128
H = 128


def setup_inputs(seed: int = 0) -> dict:
    key = jax.random.key(seed)
    ks = jax.random.split(key, 12)
    x = jax.random.normal(ks[0], (N, D), dtype=jnp.float32)
    edge_index = jax.random.randint(ks[1], (2, E), 0, N, dtype=jnp.int32)
    s = 1.0 / np.sqrt(D)
    W1_0 = jax.random.normal(ks[2], (D, H), dtype=jnp.float32) * s
    b1_0 = jnp.zeros((H,), dtype=jnp.float32)
    W2_0 = jax.random.normal(ks[3], (H, H), dtype=jnp.float32) * s
    b2_0 = jnp.zeros((H,), dtype=jnp.float32)
    W1_1 = jax.random.normal(ks[4], (H, H), dtype=jnp.float32) * s
    b1_1 = jnp.zeros((H,), dtype=jnp.float32)
    W2_1 = jax.random.normal(ks[5], (H, H), dtype=jnp.float32) * s
    b2_1 = jnp.zeros((H,), dtype=jnp.float32)
    return {"x": x, "edge_index": edge_index,
            "W1_0": W1_0, "b1_0": b1_0, "W2_0": W2_0, "b2_0": b2_0,
            "W1_1": W1_1, "b1_1": b1_1, "W2_1": W2_1, "b2_1": b2_1}


def reference(x, edge_index, W1_0, b1_0, W2_0, b2_0, W1_1, b1_1, W2_1, b2_1):
    # RoadGNN with GIN backbone, eval mode (dropout = identity), readout=True
    # GIN layer: h' = MLP((1+eps)*h + sum_{j in N(i)} h_j), eps=0
    src = edge_index[0]
    dst = edge_index[1]
    h = x
    for (W1, b1, W2, b2) in ((W1_0, b1_0, W2_0, b2_0), (W1_1, b1_1, W2_1, b2_1)):
        msgs = jnp.take(h, src, axis=0)                      # gather over edges
        agg = jax.ops.segment_sum(msgs, dst, num_segments=N)  # scatter-add to dst nodes
        h = jnp.dot(h + agg, W1) + b1
        h = jax.nn.relu(h)
        h = jnp.dot(h, W2) + b2
        h = jax.nn.relu(h)
    # dgl.mean_nodes over a single graph (no node weights 'w' present)
    pooled = jnp.mean(h, axis=0, keepdims=True)  # [1, H]
    return pooled

if __name__ == "__main__":
    import jax
    _d = setup_inputs()
    print(jax.jit(kernel)(*tuple(_d.values())))

</pallas_src>

<mosaic_0001>
#map = affine_map<(d0, d1) -> (0, 0)>
#map1 = affine_map<(d0, d1) -> (0, 0, 0)>
module attributes {stable_mosaic.version = 14 : i64} {
  func.func @k(%arg0: i32, %arg1: i32, %arg2: memref<10000x128xf32, #tpu.memory_space<hbm>>, %arg3: memref<32x10240xi32, #tpu.memory_space<hbm>>, %arg4: memref<32x80x128xi32, #tpu.memory_space<hbm>>, %arg5: memref<10240x128xf32, #tpu.memory_space<hbm>>, %arg6: memref<2x10240x128xf32, #tpu.memory_space<hbm>>, %arg7: memref<10240xi32, #tpu.memory_space<vmem>>, %arg8: memref<80x128xi32, #tpu.memory_space<vmem>>, %arg9: memref<128x128xf32, #tpu.memory_space<vmem>>, %arg10: memref<10240x128xf32, #tpu.memory_space<vmem_shared>>, %arg11: memref<!tpu.dma_semaphore, #tpu.memory_space<semaphore_mem>>, %arg12: memref<!tpu.dma_semaphore, #tpu.memory_space<semaphore_mem>>) attributes {dimension_semantics = [#tpu.dimension_semantics<core_parallel>, #tpu.dimension_semantics<subcore_parallel>], iteration_bounds = array<i64: 2, 16>, scalar_prefetch = 0 : i64, scratch_operands = 6 : i64, tpu.core_type = #tpu.core_type<sc_vector_subcore>, window_params = [{transform_indices = #map}, {transform_indices = #map}, {transform_indices = #map1}, {transform_indices = #map}, {transform_indices = #map1}]} {
    %mul3A = arith.constant 16 : i32
    %mul3A_0 = arith.muli %arg0, %mul3A : i32
    %add3A = arith.addi %mul3A_0, %arg1 : i32
    %mul3A_1 = arith.constant 640 : i32
    %mul3A_2 = arith.muli %arg1, %mul3A_1 : i32
    %mul3A_3 = arith.constant 640 : i32
    %mul3A_4 = arith.muli %arg1, %mul3A_3 : i32
    %dma_start3A = arith.constant 0 : i32
    %dma_start3A_5 = tpu.memref_slice %arg10[%mul3A_4, %dma_start3A] : memref<10240x128xf32, #tpu.memory_space<vmem_shared>> -> memref<640x128xf32, #tpu.memory_space<vmem_shared>>
    %dma_start3A_6 = arith.constant 0 : i32
    %dma_start3A_7 = tpu.memref_slice %arg5[%mul3A_2, %dma_start3A_6] : memref<10240x128xf32, #tpu.memory_space<hbm>> -> memref<640x128xf32, #tpu.memory_space<hbm>>
    tpu.enqueue_dma source(%dma_start3A_7 : memref<640x128xf32, #tpu.memory_space<hbm>>) target(%dma_start3A_5 : memref<640x128xf32, #tpu.memory_space<vmem_shared>>) target_semaphore(%arg11 : memref<!tpu.dma_semaphore, #tpu.memory_space<semaphore_mem>>)
    %dma_start3A_8 = arith.constant 0 : i32
    %dma_start3A_9 = arith.constant 0 : i32
    %dma_start3A_10 = tpu.memref_slice %arg4[%add3A, %dma_start3A_8, %dma_start3A_9] : memref<32x80x128xi32, #tpu.memory_space<hbm>> -> memref<1x80x128xi32, #tpu.memory_space<hbm>>
    %dma_start3A_11 = tpu.memref_squeeze %dma_start3A_10 : memref<1x80x128xi32, #tpu.memory_space<hbm>> -> memref<80x128xi32, #tpu.memory_space<hbm>>
    %dma_start3A_12 = arith.constant 0 : i32
    %dma_start3A_13 = arith.constant 0 : i32
    %dma_start3A_14 = tpu.memref_slice %arg4[%add3A, %dma_start3A_12, %dma_start3A_13] : memref<32x80x128xi32, #tpu.memory_space<hbm>> -> memref<1x80x128xi32, #tpu.memory_space<hbm>>
    %dma_start3A_15 = tpu.memref_squeeze %dma_start3A_14 : memref<1x80x128xi32, #tpu.memory_space<hbm>> -> memref<80x128xi32, #tpu.memory_space<hbm>>
    tpu.enqueue_dma source(%dma_start3A_15 : memref<80x128xi32, #tpu.memory_space<hbm>>) target(%arg8 : memref<80x128xi32, #tpu.memory_space<vmem>>) target_semaphore(%arg12 : memref<!tpu.dma_semaphore, #tpu.memory_space<semaphore_mem>>)
    "tpu.region"() ({
      %run_scoped3A = tpu.sem_alloc : memref<!tpu.dma_semaphore, #tpu.memory_space<semaphore_mem>>
      %dma_start3A_36 = arith.constant 0 : i32
      %dma_start3A_37 = tpu.memref_slice %arg3[%add3A, %dma_start3A_36] : memref<32x10240xi32, #tpu.memory_space<hbm>> -> memref<1x10240xi32, #tpu.memory_space<hbm>>
      %dma_start3A_38 = tpu.memref_squeeze %dma_start3A_37 : memref<1x10240xi32, #tpu.memory_space<hbm>> -> memref<10240xi32, #tpu.memory_space<hbm>>
      %dma_start3A_39 = arith.constant 0 : i32
      %dma_start3A_40 = tpu.memref_slice %arg3[%add3A, %dma_start3A_39] : memref<32x10240xi32, #tpu.memory_space<hbm>> -> memref<1x10240xi32, #tpu.memory_space<hbm>>
      %dma_start3A_41 = tpu.memref_squeeze %dma_start3A_40 : memref<1x10240xi32, #tpu.memory_space<hbm>> -> memref<10240xi32, #tpu.memory_space<hbm>>
      tpu.enqueue_dma source(%dma_start3A_41 : memref<10240xi32, #tpu.memory_space<hbm>>) target(%arg7 : memref<10240xi32, #tpu.memory_space<vmem>>) target_semaphore(%run_scoped3A : memref<!tpu.dma_semaphore, #tpu.memory_space<semaphore_mem>>)
      %dma_wait3A_42 = arith.constant 0 : i32
      %dma_wait3A_43 = tpu.memref_slice %arg3[%add3A, %dma_wait3A_42] : memref<32x10240xi32, #tpu.memory_space<hbm>> -> memref<1x10240xi32, #tpu.memory_space<hbm>>
      %dma_wait3A_44 = tpu.memref_squeeze %dma_wait3A_43 : memref<1x10240xi32, #tpu.memory_space<hbm>> -> memref<10240xi32, #tpu.memory_space<hbm>>
      %dma_wait3A_45 = arith.constant 0 : i32
      %dma_wait3A_46 = tpu.memref_slice %arg3[%add3A, %dma_wait3A_45] : memref<32x10240xi32, #tpu.memory_space<hbm>> -> memref<1x10240xi32, #tpu.memory_space<hbm>>
      %dma_wait3A_47 = tpu.memref_squeeze %dma_wait3A_46 : memref<1x10240xi32, #tpu.memory_space<hbm>> -> memref<10240xi32, #tpu.memory_space<hbm>>
      tpu.wait_dma2 semaphore(%run_scoped3A : memref<!tpu.dma_semaphore, #tpu.memory_space<semaphore_mem>>) src(%dma_wait3A_47 : memref<10240xi32, #tpu.memory_space<hbm>>) dst(%arg7 : memref<10240xi32, #tpu.memory_space<vmem>>)
      tpu.yield
    }) : () -> ()
    %dma_wait3A = arith.constant 0 : i32
    %dma_wait3A_16 = tpu.memref_slice %arg10[%mul3A_4, %dma_wait3A] : memref<10240x128xf32, #tpu.memory_space<vmem_shared>> -> memref<640x128xf32, #tpu.memory_space<vmem_shared>>
    %dma_wait3A_17 = arith.constant 0 : i32
    %dma_wait3A_18 = tpu.memref_slice %arg5[%mul3A_2, %dma_wait3A_17] : memref<10240x128xf32, #tpu.memory_space<hbm>> -> memref<640x128xf32, #tpu.memory_space<hbm>>
    tpu.wait_dma2 semaphore(%arg11 : memref<!tpu.dma_semaphore, #tpu.memory_space<semaphore_mem>>) src(%dma_wait3A_18 : memref<640x128xf32, #tpu.memory_space<hbm>>) dst(%dma_wait3A_16 : memref<640x128xf32, #tpu.memory_space<vmem_shared>>)
    %dma_wait3A_19 = arith.constant 0 : i32
    %dma_wait3A_20 = arith.constant 0 : i32
    %dma_wait3A_21 = tpu.memref_slice %arg4[%add3A, %dma_wait3A_19, %dma_wait3A_20] : memref<32x80x128xi32, #tpu.memory_space<hbm>> -> memref<1x80x128xi32, #tpu.memory_space<hbm>>
    %dma_wait3A_22 = tpu.memref_squeeze %dma_wait3A_21 : memref<1x80x128xi32, #tpu.memory_space<hbm>> -> memref<80x128xi32, #tpu.memory_space<hbm>>
    %dma_wait3A_23 = arith.constant 0 : i32
    %dma_wait3A_24 = arith.constant 0 : i32
    %dma_wait3A_25 = tpu.memref_slice %arg4[%add3A, %dma_wait3A_23, %dma_wait3A_24] : memref<32x80x128xi32, #tpu.memory_space<hbm>> -> memref<1x80x128xi32, #tpu.memory_space<hbm>>
    %dma_wait3A_26 = tpu.memref_squeeze %dma_wait3A_25 : memref<1x80x128xi32, #tpu.memory_space<hbm>> -> memref<80x128xi32, #tpu.memory_space<hbm>>
    tpu.wait_dma2 semaphore(%arg12 : memref<!tpu.dma_semaphore, #tpu.memory_space<semaphore_mem>>) src(%dma_wait3A_26 : memref<80x128xi32, #tpu.memory_space<hbm>>) dst(%arg8 : memref<80x128xi32, #tpu.memory_space<vmem>>)
    %barrier3A = arith.constant 0 : index
    tpu.barrier barrier_id(%barrier3A)
    %scan3A = arith.constant 0 : i32
    %scan3A_27 = arith.constant 80 : i32
    %scan3A_28 = arith.addi %scan3A, %scan3A_27 : i32
    %scan3A_29 = arith.constant 1 : i32
    scf.for %scan3A_36 = %scan3A to %scan3A_28 step %scan3A_29  : i32 {
      %mul3A_37 = arith.constant 1 : i32
      %mul3A_38 = arith.muli %scan3A_36, %mul3A_37 : i32
      %add3A_39 = arith.constant 0 : i32
      %add3A_40 = arith.addi %add3A_39, %mul3A_38 : i32
      %mul3A_41 = arith.constant 128 : i32
      %mul3A_42 = arith.muli %add3A_40, %mul3A_41 : i32
      "tpu.region"() ({
        %run_scoped3A = tpu.sem_alloc : memref<!tpu.dma_semaphore, #tpu.memory_space<semaphore_mem>>
        %dma_start3A_43 = tpu.memref_slice %arg7[%mul3A_42] : memref<10240xi32, #tpu.memory_space<vmem>> -> memref<128xi32, #tpu.memory_space<vmem>>
        %dma_start3A_44 = arith.constant 0 : i32
        %dma_start3A_45 = arith.constant 0 : i32
        %dma_start3A_46 = tpu.memref_slice %arg2[%dma_start3A_44, %dma_start3A_45] : memref<10000x128xf32, #tpu.memory_space<hbm>> -> memref<10000x128xf32, #tpu.memory_space<hbm>>
        tpu.enqueue_indirect_dma source(%dma_start3A_46 : memref<10000x128xf32, #tpu.memory_space<hbm>>) target(%arg9 : memref<128x128xf32, #tpu.memory_space<vmem>>) offsets(%dma_start3A_43 : memref<128xi32, #tpu.memory_space<vmem>>) semaphore(%run_scoped3A : memref<!tpu.dma_semaphore, #tpu.memory_space<semaphore_mem>>)
        %dma_wait3A_47 = tpu.memref_slice %arg7[%mul3A_42] : memref<10240xi32, #tpu.memory_space<vmem>> -> memref<128xi32, #tpu.memory_space<vmem>>
        %dma_wait3A_48 = arith.constant 0 : i32
        %dma_wait3A_49 = arith.constant 0 : i32
        %dma_wait3A_50 = tpu.memref_slice %arg2[%dma_wait3A_48, %dma_wait3A_49] : memref<10000x128xf32, #tpu.memory_space<hbm>> -> memref<10000x128xf32, #tpu.memory_space<hbm>>
        tpu.wait_indirect_dma semaphore(%run_scoped3A : memref<!tpu.dma_semaphore, #tpu.memory_space<semaphore_mem>>) src(%dma_wait3A_50 : memref<10000x128xf32, #tpu.memory_space<hbm>>) dst(%arg9 : memref<128x128xf32, #tpu.memory_space<vmem>>)
        tpu.yield
      }) : () -> ()
      "tpu.region"() ({
        %run_scoped3A = tpu.sem_alloc : memref<!tpu.dma_semaphore, #tpu.memory_space<semaphore_mem>>
        %dma_start3A_43 = arith.constant 0 : i32
        %dma_start3A_44 = tpu.memref_slice %arg8[%add3A_40, %dma_start3A_43] : memref<80x128xi32, #tpu.memory_space<vmem>> -> memref<1x128xi32, #tpu.memory_space<vmem>>
        %dma_start3A_45 = tpu.memref_squeeze %dma_start3A_44 : memref<1x128xi32, #tpu.memory_space<vmem>> -> memref<128xi32, #tpu.memory_space<vmem>>
        %dma_start3A_46 = arith.constant 0 : i32
        %dma_start3A_47 = arith.constant 0 : i32
        %dma_start3A_48 = tpu.memref_slice %arg10[%dma_start3A_46, %dma_start3A_47] : memref<10240x128xf32, #tpu.memory_space<vmem_shared>> -> memref<10240x128xf32, #tpu.memory_space<vmem_shared>>
        tpu.enqueue_indirect_dma source(%arg9 : memref<128x128xf32, #tpu.memory_space<vmem>>) target(%dma_start3A_48 : memref<10240x128xf32, #tpu.memory_space<vmem_shared>>) offsets(%dma_start3A_45 : memref<128xi32, #tpu.memory_space<vmem>>) semaphore(%run_scoped3A : memref<!tpu.dma_semaphore, #tpu.memory_space<semaphore_mem>>) {add = true}
        %dma_wait3A_49 = arith.constant 0 : i32
        %dma_wait3A_50 = tpu.memref_slice %arg8[%add3A_40, %dma_wait3A_49] : memref<80x128xi32, #tpu.memory_space<vmem>> -> memref<1x128xi32, #tpu.memory_space<vmem>>
        %dma_wait3A_51 = tpu.memref_squeeze %dma_wait3A_50 : memref<1x128xi32, #tpu.memory_space<vmem>> -> memref<128xi32, #tpu.memory_space<vmem>>
        %dma_wait3A_52 = arith.constant 0 : i32
        %dma_wait3A_53 = arith.constant 0 : i32
        %dma_wait3A_54 = tpu.memref_slice %arg10[%dma_wait3A_52, %dma_wait3A_53] : memref<10240x128xf32, #tpu.memory_space<vmem_shared>> -> memref<10240x128xf32, #tpu.memory_space<vmem_shared>>
        tpu.wait_indirect_dma semaphore(%run_scoped3A : memref<!tpu.dma_semaphore, #tpu.memory_space<semaphore_mem>>) src(%arg9 : memref<128x128xf32, #tpu.memory_space<vmem>>) dst(%dma_wait3A_54 : memref<10240x128xf32, #tpu.memory_space<vmem_shared>>)
        tpu.yield
      }) : () -> ()
    }
    %scan3A_30 = arith.constant 80 : i32
    %barrier3A_31 = arith.constant 0 : index
    tpu.barrier barrier_id(%barrier3A_31)
    %mul3A_32 = arith.constant 640 : i32
    %mul3A_33 = arith.muli %arg1, %mul3A_32 : i32
    %mul3A_34 = arith.constant 640 : i32
    %mul3A_35 = arith.muli %arg1, %mul3A_34 : i32
    "tpu.region"() ({
      %run_scoped3A = tpu.sem_alloc : memref<!tpu.dma_semaphore, #tpu.memory_space<semaphore_mem>>
      %dma_start3A_36 = arith.constant 0 : i32
      %dma_start3A_37 = tpu.memref_slice %arg6[%arg0, %mul3A_35, %dma_start3A_36] : memref<2x10240x128xf32, #tpu.memory_space<hbm>> -> memref<1x640x128xf32, #tpu.memory_space<hbm>>
      %dma_start3A_38 = tpu.memref_squeeze %dma_start3A_37 : memref<1x640x128xf32, #tpu.memory_space<hbm>> -> memref<640x128xf32, #tpu.memory_space<hbm>>
      %dma_start3A_39 = arith.constant 0 : i32
      %dma_start3A_40 = tpu.memref_slice %arg10[%mul3A_33, %dma_start3A_39] : memref<10240x128xf32, #tpu.memory_space<vmem_shared>> -> memref<640x128xf32, #tpu.memory_space<vmem_shared>>
      tpu.enqueue_dma source(%dma_start3A_40 : memref<640x128xf32, #tpu.memory_space<vmem_shared>>) target(%dma_start3A_38 : memref<640x128xf32, #tpu.memory_space<hbm>>) target_semaphore(%run_scoped3A : memref<!tpu.dma_semaphore, #tpu.memory_space<semaphore_mem>>)
      %dma_wait3A_41 = arith.constant 0 : i32
      %dma_wait3A_42 = tpu.memref_slice %arg6[%arg0, %mul3A_35, %dma_wait3A_41] : memref<2x10240x128xf32, #tpu.memory_space<hbm>> -> memref<1x640x128xf32, #tpu.memory_space<hbm>>
      %dma_wait3A_43 = tpu.memref_squeeze %dma_wait3A_42 : memref<1x640x128xf32, #tpu.memory_space<hbm>> -> memref<640x128xf32, #tpu.memory_space<hbm>>
      %dma_wait3A_44 = arith.constant 0 : i32
      %dma_wait3A_45 = tpu.memref_slice %arg10[%mul3A_33, %dma_wait3A_44] : memref<10240x128xf32, #tpu.memory_space<vmem_shared>> -> memref<640x128xf32, #tpu.memory_space<vmem_shared>>
      tpu.wait_dma2 semaphore(%run_scoped3A : memref<!tpu.dma_semaphore, #tpu.memory_space<semaphore_mem>>) src(%dma_wait3A_45 : memref<640x128xf32, #tpu.memory_space<vmem_shared>>) dst(%dma_wait3A_43 : memref<640x128xf32, #tpu.memory_space<hbm>>)
      tpu.yield
    }) : () -> ()
    return
  }
}

#map = affine_map<(d0, d1) -> (0, 0)>
#map1 = affine_map<(d0, d1) -> (0, 0, 0)>
module attributes {stable_mosaic.version = 14 : i64} {
  func.func @k(%arg0: i32, %arg1: i32, %arg2: memref<10000x128xf32, #tpu.memory_space<hbm>>, %arg3: memref<32x10240xi32, #tpu.memory_space<hbm>>, %arg4: memref<32x80x128xi32, #tpu.memory_space<hbm>>, %arg5: memref<10240x128xf32, #tpu.memory_space<hbm>>, %arg6: memref<2x10240x128xf32, #tpu.memory_space<hbm>>, %arg7: memref<10240xi32, #tpu.memory_space<vmem>>, %arg8: memref<80x128xi32, #tpu.memory_space<vmem>>, %arg9: memref<128x128xf32, #tpu.memory_space<vmem>>, %arg10: memref<10240x128xf32, #tpu.memory_space<vmem_shared>>, %arg11: memref<!tpu.dma_semaphore, #tpu.memory_space<semaphore_mem>>, %arg12: memref<!tpu.dma_semaphore, #tpu.memory_space<semaphore_mem>>) attributes {dimension_semantics = [#tpu.dimension_semantics<core_parallel>, #tpu.dimension_semantics<subcore_parallel>], iteration_bounds = array<i64: 2, 16>, scalar_prefetch = 0 : i64, scratch_operands = 6 : i64, tpu.core_type = #tpu.core_type<sc_vector_subcore>, window_params = [{transform_indices = #map}, {transform_indices = #map}, {transform_indices = #map1}, {transform_indices = #map}, {transform_indices = #map1}]} {
    %mul3A = arith.constant 16 : i32
    %mul3A_0 = arith.muli %arg0, %mul3A : i32
    %add3A = arith.addi %mul3A_0, %arg1 : i32
    %mul3A_1 = arith.constant 640 : i32
    %mul3A_2 = arith.muli %arg1, %mul3A_1 : i32
    %mul3A_3 = arith.constant 640 : i32
    %mul3A_4 = arith.muli %arg1, %mul3A_3 : i32
    %dma_start3A = arith.constant 0 : i32
    %dma_start3A_5 = tpu.memref_slice %arg10[%mul3A_4, %dma_start3A] : memref<10240x128xf32, #tpu.memory_space<vmem_shared>> -> memref<640x128xf32, #tpu.memory_space<vmem_shared>>
    %dma_start3A_6 = arith.constant 0 : i32
    %dma_start3A_7 = tpu.memref_slice %arg5[%mul3A_2, %dma_start3A_6] : memref<10240x128xf32, #tpu.memory_space<hbm>> -> memref<640x128xf32, #tpu.memory_space<hbm>>
    tpu.enqueue_dma source(%dma_start3A_7 : memref<640x128xf32, #tpu.memory_space<hbm>>) target(%dma_start3A_5 : memref<640x128xf32, #tpu.memory_space<vmem_shared>>) target_semaphore(%arg11 : memref<!tpu.dma_semaphore, #tpu.memory_space<semaphore_mem>>)
    %dma_start3A_8 = arith.constant 0 : i32
    %dma_start3A_9 = arith.constant 0 : i32
    %dma_start3A_10 = tpu.memref_slice %arg4[%add3A, %dma_start3A_8, %dma_start3A_9] : memref<32x80x128xi32, #tpu.memory_space<hbm>> -> memref<1x80x128xi32, #tpu.memory_space<hbm>>
    %dma_start3A_11 = tpu.memref_squeeze %dma_start3A_10 : memref<1x80x128xi32, #tpu.memory_space<hbm>> -> memref<80x128xi32, #tpu.memory_space<hbm>>
    %dma_start3A_12 = arith.constant 0 : i32
    %dma_start3A_13 = arith.constant 0 : i32
    %dma_start3A_14 = tpu.memref_slice %arg4[%add3A, %dma_start3A_12, %dma_start3A_13] : memref<32x80x128xi32, #tpu.memory_space<hbm>> -> memref<1x80x128xi32, #tpu.memory_space<hbm>>
    %dma_start3A_15 = tpu.memref_squeeze %dma_start3A_14 : memref<1x80x128xi32, #tpu.memory_space<hbm>> -> memref<80x128xi32, #tpu.memory_space<hbm>>
    tpu.enqueue_dma source(%dma_start3A_15 : memref<80x128xi32, #tpu.memory_space<hbm>>) target(%arg8 : memref<80x128xi32, #tpu.memory_space<vmem>>) target_semaphore(%arg12 : memref<!tpu.dma_semaphore, #tpu.memory_space<semaphore_mem>>)
    "tpu.region"() ({
      %run_scoped3A = tpu.sem_alloc : memref<!tpu.dma_semaphore, #tpu.memory_space<semaphore_mem>>
      %dma_start3A_36 = arith.constant 0 : i32
      %dma_start3A_37 = tpu.memref_slice %arg3[%add3A, %dma_start3A_36] : memref<32x10240xi32, #tpu.memory_space<hbm>> -> memref<1x10240xi32, #tpu.memory_space<hbm>>
      %dma_start3A_38 = tpu.memref_squeeze %dma_start3A_37 : memref<1x10240xi32, #tpu.memory_space<hbm>> -> memref<10240xi32, #tpu.memory_space<hbm>>
      %dma_start3A_39 = arith.constant 0 : i32
      %dma_start3A_40 = tpu.memref_slice %arg3[%add3A, %dma_start3A_39] : memref<32x10240xi32, #tpu.memory_space<hbm>> -> memref<1x10240xi32, #tpu.memory_space<hbm>>
      %dma_start3A_41 = tpu.memref_squeeze %dma_start3A_40 : memref<1x10240xi32, #tpu.memory_space<hbm>> -> memref<10240xi32, #tpu.memory_space<hbm>>
      tpu.enqueue_dma source(%dma_start3A_41 : memref<10240xi32, #tpu.memory_space<hbm>>) target(%arg7 : memref<10240xi32, #tpu.memory_space<vmem>>) target_semaphore(%run_scoped3A : memref<!tpu.dma_semaphore, #tpu.memory_space<semaphore_mem>>)
      %dma_wait3A_42 = arith.constant 0 : i32
      %dma_wait3A_43 = tpu.memref_slice %arg3[%add3A, %dma_wait3A_42] : memref<32x10240xi32, #tpu.memory_space<hbm>> -> memref<1x10240xi32, #tpu.memory_space<hbm>>
      %dma_wait3A_44 = tpu.memref_squeeze %dma_wait3A_43 : memref<1x10240xi32, #tpu.memory_space<hbm>> -> memref<10240xi32, #tpu.memory_space<hbm>>
      %dma_wait3A_45 = arith.constant 0 : i32
      %dma_wait3A_46 = tpu.memref_slice %arg3[%add3A, %dma_wait3A_45] : memref<32x10240xi32, #tpu.memory_space<hbm>> -> memref<1x10240xi32, #tpu.memory_space<hbm>>
      %dma_wait3A_47 = tpu.memref_squeeze %dma_wait3A_46 : memref<1x10240xi32, #tpu.memory_space<hbm>> -> memref<10240xi32, #tpu.memory_space<hbm>>
      tpu.wait_dma2 semaphore(%run_scoped3A : memref<!tpu.dma_semaphore, #tpu.memory_space<semaphore_mem>>) src(%dma_wait3A_47 : memref<10240xi32, #tpu.memory_space<hbm>>) dst(%arg7 : memref<10240xi32, #tpu.memory_space<vmem>>)
      tpu.yield
    }) : () -> ()
    %dma_wait3A = arith.constant 0 : i32
    %dma_wait3A_16 = tpu.memref_slice %arg10[%mul3A_4, %dma_wait3A] : memref<10240x128xf32, #tpu.memory_space<vmem_shared>> -> memref<640x128xf32, #tpu.memory_space<vmem_shared>>
    %dma_wait3A_17 = arith.constant 0 : i32
    %dma_wait3A_18 = tpu.memref_slice %arg5[%mul3A_2, %dma_wait3A_17] : memref<10240x128xf32, #tpu.memory_space<hbm>> -> memref<640x128xf32, #tpu.memory_space<hbm>>
    tpu.wait_dma2 semaphore(%arg11 : memref<!tpu.dma_semaphore, #tpu.memory_space<semaphore_mem>>) src(%dma_wait3A_18 : memref<640x128xf32, #tpu.memory_space<hbm>>) dst(%dma_wait3A_16 : memref<640x128xf32, #tpu.memory_space<vmem_shared>>)
    %dma_wait3A_19 = arith.constant 0 : i32
    %dma_wait3A_20 = arith.constant 0 : i32
    %dma_wait3A_21 = tpu.memref_slice %arg4[%add3A, %dma_wait3A_19, %dma_wait3A_20] : memref<32x80x128xi32, #tpu.memory_space<hbm>> -> memref<1x80x128xi32, #tpu.memory_space<hbm>>
    %dma_wait3A_22 = tpu.memref_squeeze %dma_wait3A_21 : memref<1x80x128xi32, #tpu.memory_space<hbm>> -> memref<80x128xi32, #tpu.memory_space<hbm>>
    %dma_wait3A_23 = arith.constant 0 : i32
    %dma_wait3A_24 = arith.constant 0 : i32
    %dma_wait3A_25 = tpu.memref_slice %arg4[%add3A, %dma_wait3A_23, %dma_wait3A_24] : memref<32x80x128xi32, #tpu.memory_space<hbm>> -> memref<1x80x128xi32, #tpu.memory_space<hbm>>
    %dma_wait3A_26 = tpu.memref_squeeze %dma_wait3A_25 : memref<1x80x128xi32, #tpu.memory_space<hbm>> -> memref<80x128xi32, #tpu.memory_space<hbm>>
    tpu.wait_dma2 semaphore(%arg12 : memref<!tpu.dma_semaphore, #tpu.memory_space<semaphore_mem>>) src(%dma_wait3A_26 : memref<80x128xi32, #tpu.memory_space<hbm>>) dst(%arg8 : memref<80x128xi32, #tpu.memory_space<vmem>>)
    %barrier3A = arith.constant 0 : index
    tpu.barrier barrier_id(%barrier3A)
    %scan3A = arith.constant 0 : i32
    %scan3A_27 = arith.constant 80 : i32
    %scan3A_28 = arith.addi %scan3A, %scan3A_27 : i32
    %scan3A_29 = arith.constant 1 : i32
    scf.for %scan3A_36 = %scan3A to %scan3A_28 step %scan3A_29  : i32 {
      %mul3A_37 = arith.constant 1 : i32
      %mul3A_38 = arith.muli %scan3A_36, %mul3A_37 : i32
      %add3A_39 = arith.constant 0 : i32
      %add3A_40 = arith.addi %add3A_39, %mul3A_38 : i32
      %mul3A_41 = arith.constant 128 : i32
      %mul3A_42 = arith.muli %add3A_40, %mul3A_41 : i32
      "tpu.region"() ({
        %run_scoped3A = tpu.sem_alloc : memref<!tpu.dma_semaphore, #tpu.memory_space<semaphore_mem>>
        %dma_start3A_43 = tpu.memref_slice %arg7[%mul3A_42] : memref<10240xi32, #tpu.memory_space<vmem>> -> memref<128xi32, #tpu.memory_space<vmem>>
        %dma_start3A_44 = arith.constant 0 : i32
        %dma_start3A_45 = arith.constant 0 : i32
        %dma_start3A_46 = tpu.memref_slice %arg2[%dma_start3A_44, %dma_start3A_45] : memref<10000x128xf32, #tpu.memory_space<hbm>> -> memref<10000x128xf32, #tpu.memory_space<hbm>>
        tpu.enqueue_indirect_dma source(%dma_start3A_46 : memref<10000x128xf32, #tpu.memory_space<hbm>>) target(%arg9 : memref<128x128xf32, #tpu.memory_space<vmem>>) offsets(%dma_start3A_43 : memref<128xi32, #tpu.memory_space<vmem>>) semaphore(%run_scoped3A : memref<!tpu.dma_semaphore, #tpu.memory_space<semaphore_mem>>)
        %dma_wait3A_47 = tpu.memref_slice %arg7[%mul3A_42] : memref<10240xi32, #tpu.memory_space<vmem>> -> memref<128xi32, #tpu.memory_space<vmem>>
        %dma_wait3A_48 = arith.constant 0 : i32
        %dma_wait3A_49 = arith.constant 0 : i32
        %dma_wait3A_50 = tpu.memref_slice %arg2[%dma_wait3A_48, %dma_wait3A_49] : memref<10000x128xf32, #tpu.memory_space<hbm>> -> memref<10000x128xf32, #tpu.memory_space<hbm>>
        tpu.wait_indirect_dma semaphore(%run_scoped3A : memref<!tpu.dma_semaphore, #tpu.memory_space<semaphore_mem>>) src(%dma_wait3A_50 : memref<10000x128xf32, #tpu.memory_space<hbm>>) dst(%arg9 : memref<128x128xf32, #tpu.memory_space<vmem>>)
        tpu.yield
      }) : () -> ()
      "tpu.region"() ({
        %run_scoped3A = tpu.sem_alloc : memref<!tpu.dma_semaphore, #tpu.memory_space<semaphore_mem>>
        %dma_start3A_43 = arith.constant 0 : i32
        %dma_start3A_44 = tpu.memref_slice %arg8[%add3A_40, %dma_start3A_43] : memref<80x128xi32, #tpu.memory_space<vmem>> -> memref<1x128xi32, #tpu.memory_space<vmem>>
        %dma_start3A_45 = tpu.memref_squeeze %dma_start3A_44 : memref<1x128xi32, #tpu.memory_space<vmem>> -> memref<128xi32, #tpu.memory_space<vmem>>
        %dma_start3A_46 = arith.constant 0 : i32
        %dma_start3A_47 = arith.constant 0 : i32
        %dma_start3A_48 = tpu.memref_slice %arg10[%dma_start3A_46, %dma_start3A_47] : memref<10240x128xf32, #tpu.memory_space<vmem_shared>> -> memref<10240x128xf32, #tpu.memory_space<vmem_shared>>
        tpu.enqueue_indirect_dma source(%arg9 : memref<128x128xf32, #tpu.memory_space<vmem>>) target(%dma_start3A_48 : memref<10240x128xf32, #tpu.memory_space<vmem_shared>>) offsets(%dma_start3A_45 : memref<128xi32, #tpu.memory_space<vmem>>) semaphore(%run_scoped3A : memref<!tpu.dma_semaphore, #tpu.memory_space<semaphore_mem>>) {add = true}
        %dma_wait3A_49 = arith.constant 0 : i32
        %dma_wait3A_50 = tpu.memref_slice %arg8[%add3A_40, %dma_wait3A_49] : memref<80x128xi32, #tpu.memory_space<vmem>> -> memref<1x128xi32, #tpu.memory_space<vmem>>
        %dma_wait3A_51 = tpu.memref_squeeze %dma_wait3A_50 : memref<1x128xi32, #tpu.memory_space<vmem>> -> memref<128xi32, #tpu.memory_space<vmem>>
        %dma_wait3A_52 = arith.constant 0 : i32
        %dma_wait3A_53 = arith.constant 0 : i32
        %dma_wait3A_54 = tpu.memref_slice %arg10[%dma_wait3A_52, %dma_wait3A_53] : memref<10240x128xf32, #tpu.memory_space<vmem_shared>> -> memref<10240x128xf32, #tpu.memory_space<vmem_shared>>
        tpu.wait_indirect_dma semaphore(%run_scoped3A : memref<!tpu.dma_semaphore, #tpu.memory_space<semaphore_mem>>) src(%arg9 : memref<128x128xf32, #tpu.memory_space<vmem>>) dst(%dma_wait3A_54 : memref<10240x128xf32, #tpu.memory_space<vmem_shared>>)
        tpu.yield
      }) : () -> ()
    }
    %scan3A_30 = arith.constant 80 : i32
    %barrier3A_31 = arith.constant 0 : index
    tpu.barrier barrier_id(%barrier3A_31)
    %mul3A_32 = arith.constant 640 : i32
    %mul3A_33 = arith.muli %arg1, %mul3A_32 : i32
    %mul3A_34 = arith.constant 640 : i32
    %mul3A_35 = arith.muli %arg1, %mul3A_34 : i32
    "tpu.region"() ({
      %run_scoped3A = tpu.sem_alloc : memref<!tpu.dma_semaphore, #tpu.memory_space<semaphore_mem>>
      %dma_start3A_36 = arith.constant 0 : i32
      %dma_start3A_37 = tpu.memref_slice %arg6[%arg0, %mul3A_35, %dma_start3A_36] : memref<2x10240x128xf32, #tpu.memory_space<hbm>> -> memref<1x640x128xf32, #tpu.memory_space<hbm>>
      %dma_start3A_38 = tpu.memref_squeeze %dma_start3A_37 : memref<1x640x128xf32, #tpu.memory_space<hbm>> -> memref<640x128xf32, #tpu.memory_space<hbm>>
      %dma_start3A_39 = arith.constant 0 : i32
      %dma_start3A_40 = tpu.memref_slice %arg10[%mul3A_33, %dma_start3A_39] : memref<10240x128xf32, #tpu.memory_space<vmem_shared>> -> memref<640x128xf32, #tpu.memory_space<vmem_shared>>
      tpu.enqueue_dma source(%dma_start3A_40 : memref<640x128xf32, #tpu.memory_space<vmem_shared>>) target(%dma_start3A_38 : memref<640x128xf32, #tpu.memory_space<hbm>>) target_semaphore(%run_scoped3A : memref<!tpu.dma_semaphore, #tpu.memory_space<semaphore_mem>>)
      %dma_wait3A_41 = arith.constant 0 : i32
      %dma_wait3A_42 = tpu.memref_slice %arg6[%arg0, %mul3A_35, %dma_wait3A_41] : memref<2x10240x128xf32, #tpu.memory_space<hbm>> -> memref<1x640x128xf32, #tpu.memory_space<hbm>>
      %dma_wait3A_43 = tpu.memref_squeeze %dma_wait3A_42 : memref<1x640x128xf32, #tpu.memory_space<hbm>> -> memref<640x128xf32, #tpu.memory_space<hbm>>
      %dma_wait3A_44 = arith.constant 0 : i32
      %dma_wait3A_45 = tpu.memref_slice %arg10[%mul3A_33, %dma_wait3A_44] : memref<10240x128xf32, #tpu.memory_space<vmem_shared>> -> memref<640x128xf32, #tpu.memory_space<vmem_shared>>
      tpu.wait_dma2 semaphore(%run_scoped3A : memref<!tpu.dma_semaphore, #tpu.memory_space<semaphore_mem>>) src(%dma_wait3A_45 : memref<640x128xf32, #tpu.memory_space<vmem_shared>>) dst(%dma_wait3A_43 : memref<640x128xf32, #tpu.memory_space<hbm>>)
      tpu.yield
    }) : () -> ()
    return
  }
}

module attributes {stable_mosaic.version = 14 : i64} {
  func.func @_mlp_body(%arg0: i32, %arg1: memref<1000x128xf32, #tpu.memory_space<vmem>>, %arg2: memref<2x1000x128xf32, #tpu.memory_space<vmem>>, %arg3: memref<128x128xf32, #tpu.memory_space<vmem>>, %arg4: memref<1x128xf32, #tpu.memory_space<vmem>>, %arg5: memref<128x128xf32, #tpu.memory_space<vmem>>, %arg6: memref<1x128xf32, #tpu.memory_space<vmem>>, %arg7: memref<1000x128xf32, #tpu.memory_space<vmem>>) attributes {dimension_semantics = [#tpu.dimension_semantics<arbitrary>], iteration_bounds = array<i64: 10>, scalar_prefetch = 0 : i64, scratch_operands = 0 : i64, tpu.core_type = #tpu.core_type<tc>, window_params = [{transform_indices = @transform_0, window_bounds = array<i64: 1000, 128>}, {transform_indices = @transform_1, window_bounds = array<i64: 2, 1000, 128>}, {pipeline_mode = #tpu.pipeline_mode<synchronous>, transform_indices = @transform_2, window_bounds = array<i64: 128, 128>}, {pipeline_mode = #tpu.pipeline_mode<synchronous>, transform_indices = @transform_3, window_bounds = array<i64: 1, 128>}, {pipeline_mode = #tpu.pipeline_mode<synchronous>, transform_indices = @transform_4, window_bounds = array<i64: 128, 128>}, {pipeline_mode = #tpu.pipeline_mode<synchronous>, transform_indices = @transform_5, window_bounds = array<i64: 1, 128>}, {transform_indices = @transform_6, window_bounds = array<i64: 1000, 128>}]} {
    %get3A = arith.constant 0 : index
    %get3A_0 = arith.constant 0 : index
    %get3A_1 = vector.load %arg1[%get3A, %get3A_0] : memref<1000x128xf32, #tpu.memory_space<vmem>>, vector<1000x128xf32>
    %get3A_2 = arith.constant 0 : index
    %get3A_3 = arith.constant 0 : index
    %get3A_4 = arith.constant 0 : index
    %get3A_5 = vector.load %arg2[%get3A_2, %get3A_3, %get3A_4] : memref<2x1000x128xf32, #tpu.memory_space<vmem>>, vector<1x1000x128xf32>
    %get3A_6 = vector.shape_cast %get3A_5 : vector<1x1000x128xf32> to vector<1000x128xf32>
    %add3A = arith.addf %get3A_1, %get3A_6 : vector<1000x128xf32>
    %get3A_7 = arith.constant 1 : index
    %get3A_8 = arith.constant 0 : index
    %get3A_9 = arith.constant 0 : index
    %get3A_10 = vector.load %arg2[%get3A_7, %get3A_8, %get3A_9] : memref<2x1000x128xf32, #tpu.memory_space<vmem>>, vector<1x1000x128xf32>
    %get3A_11 = vector.shape_cast %get3A_10 : vector<1x1000x128xf32> to vector<1000x128xf32>
    %add3A_12 = arith.addf %add3A, %get3A_11 : vector<1000x128xf32>
    %get3A_13 = arith.constant 0 : index
    %get3A_14 = arith.constant 0 : index
    %get3A_15 = vector.load %arg3[%get3A_13, %get3A_14] : memref<128x128xf32, #tpu.memory_space<vmem>>, vector<128x128xf32>
    %dot_general3A = arith.constant dense<0.000000e+00> : vector<1000x128xf32>
    %dot_general3A_16 = tpu.matmul %add3A_12, %get3A_15, %dot_general3A {dimension_numbers = #tpu.dot_dimension_numbers<[1], [0], [0], [1], [0, 0, 1, 1], [], []>, transpose_lhs_hint = false} : vector<1000x128xf32>, vector<128x128xf32>, vector<1000x128xf32> -> vector<1000x128xf32>
    %get3A_17 = arith.constant 0 : index
    %get3A_18 = arith.constant 0 : index
    %get3A_19 = vector.load %arg4[%get3A_17, %get3A_18] : memref<1x128xf32, #tpu.memory_space<vmem>>, vector<1x128xf32>
    %add3A_20 = vector.broadcast %get3A_19 : vector<1x128xf32> to vector<1000x128xf32>
    %add3A_21 = arith.addf %dot_general3A_16, %add3A_20 : vector<1000x128xf32>
    %max3A = arith.constant 0.000000e+00 : f32
    %max3A_22 = vector.broadcast %max3A : f32 to vector<1000x128xf32>
    %max3A_23 = arith.maximumf %add3A_21, %max3A_22 : vector<1000x128xf32>
    %get3A_24 = arith.constant 0 : index
    %get3A_25 = arith.constant 0 : index
    %get3A_26 = vector.load %arg5[%get3A_24, %get3A_25] : memref<128x128xf32, #tpu.memory_space<vmem>>, vector<128x128xf32>
    %dot_general3A_27 = arith.constant dense<0.000000e+00> : vector<1000x128xf32>
    %dot_general3A_28 = tpu.matmul %max3A_23, %get3A_26, %dot_general3A_27 {dimension_numbers = #tpu.dot_dimension_numbers<[1], [0], [0], [1], [0, 0, 1, 1], [], []>, transpose_lhs_hint = false} : vector<1000x128xf32>, vector<128x128xf32>, vector<1000x128xf32> -> vector<1000x128xf32>
    %get3A_29 = arith.constant 0 : index
    %get3A_30 = arith.constant 0 : index
    %get3A_31 = vector.load %arg6[%get3A_29, %get3A_30] : memref<1x128xf32, #tpu.memory_space<vmem>>, vector<1x128xf32>
    %add3A_32 = vector.broadcast %get3A_31 : vector<1x128xf32> to vector<1000x128xf32>
    %add3A_33 = arith.addf %dot_general3A_28, %add3A_32 : vector<1000x128xf32>
    %max3A_34 = arith.constant 0.000000e+00 : f32
    %max3A_35 = vector.broadcast %max3A_34 : f32 to vector<1000x128xf32>
    %max3A_36 = arith.maximumf %add3A_33, %max3A_35 : vector<1000x128xf32>
    %swap3A = arith.constant 0 : index
    %swap3A_37 = arith.constant 0 : index
    %swap3A_38 = vector.load %arg7[%swap3A, %swap3A_37] : memref<1000x128xf32, #tpu.memory_space<vmem>>, vector<1000x128xf32>
    tpu.vector_store %arg7[%swap3A, %swap3A_37], %max3A_36 {strides = array<i32>} : memref<1000x128xf32, #tpu.memory_space<vmem>>, vector<1000x128xf32>,
    return
  }
  func.func @transform_0(%arg0: i32) -> (i32, i32) {
    %c0_i32 = arith.constant 0 : i32
    %c0_i32_0 = arith.constant 0 : i32
    return %arg0, %c0_i32 : i32, i32
  }
  func.func @transform_1(%arg0: i32) -> (i32, i32, i32) {
    %c0_i32 = arith.constant 0 : i32
    %c0_i32_0 = arith.constant 0 : i32
    %c0_i32_1 = arith.constant 0 : i32
    return %c0_i32, %arg0, %c0_i32_0 : i32, i32, i32
  }
  func.func @transform_2(%arg0: i32) -> (i32, i32) {
    %c0_i32 = arith.constant 0 : i32
    %c0_i32_0 = arith.constant 0 : i32
    %c0_i32_1 = arith.constant 0 : i32
    return %c0_i32, %c0_i32_0 : i32, i32
  }
  func.func @transform_3(%arg0: i32) -> (i32, i32) {
    %c0_i32 = arith.constant 0 : i32
    %c0_i32_0 = arith.constant 0 : i32
    %c0_i32_1 = arith.constant 0 : i32
    return %c0_i32, %c0_i32_0 : i32, i32
  }
  func.func @transform_4(%arg0: i32) -> (i32, i32) {
    %c0_i32 = arith.constant 0 : i32
    %c0_i32_0 = arith.constant 0 : i32
    %c0_i32_1 = arith.constant 0 : i32
    return %c0_i32, %c0_i32_0 : i32, i32
  }
  func.func @transform_5(%arg0: i32) -> (i32, i32) {
    %c0_i32 = arith.constant 0 : i32
    %c0_i32_0 = arith.constant 0 : i32
    %c0_i32_1 = arith.constant 0 : i32
    return %c0_i32, %c0_i32_0 : i32, i32
  }
  func.func @transform_6(%arg0: i32) -> (i32, i32) {
    %c0_i32 = arith.constant 0 : i32
    %c0_i32_0 = arith.constant 0 : i32
    return %arg0, %c0_i32 : i32, i32
  }
}

module attributes {stable_mosaic.version = 14 : i64} {
  func.func @_mlp_pool_body(%arg0: i32, %arg1: memref<1000x128xf32, #tpu.memory_space<vmem>>, %arg2: memref<2x1000x128xf32, #tpu.memory_space<vmem>>, %arg3: memref<128x128xf32, #tpu.memory_space<vmem>>, %arg4: memref<1x128xf32, #tpu.memory_space<vmem>>, %arg5: memref<128x128xf32, #tpu.memory_space<vmem>>, %arg6: memref<1x128xf32, #tpu.memory_space<vmem>>, %arg7: memref<1x128xf32, #tpu.memory_space<vmem>>) attributes {dimension_semantics = [#tpu.dimension_semantics<arbitrary>], iteration_bounds = array<i64: 10>, scalar_prefetch = 0 : i64, scratch_operands = 0 : i64, tpu.core_type = #tpu.core_type<tc>, window_params = [{transform_indices = @transform_0, window_bounds = array<i64: 1000, 128>}, {transform_indices = @transform_1, window_bounds = array<i64: 2, 1000, 128>}, {pipeline_mode = #tpu.pipeline_mode<synchronous>, transform_indices = @transform_2, window_bounds = array<i64: 128, 128>}, {pipeline_mode = #tpu.pipeline_mode<synchronous>, transform_indices = @transform_3, window_bounds = array<i64: 1, 128>}, {pipeline_mode = #tpu.pipeline_mode<synchronous>, transform_indices = @transform_4, window_bounds = array<i64: 128, 128>}, {pipeline_mode = #tpu.pipeline_mode<synchronous>, transform_indices = @transform_5, window_bounds = array<i64: 1, 128>}, {pipeline_mode = #tpu.pipeline_mode<synchronous>, transform_indices = @transform_6, window_bounds = array<i64: 1, 128>}]} {
    %get3A = arith.constant 0 : index
    %get3A_0 = arith.constant 0 : index
    %get3A_1 = vector.load %arg1[%get3A, %get3A_0] : memref<1000x128xf32, #tpu.memory_space<vmem>>, vector<1000x128xf32>
    %get3A_2 = arith.constant 0 : index
    %get3A_3 = arith.constant 0 : index
    %get3A_4 = arith.constant 0 : index
    %get3A_5 = vector.load %arg2[%get3A_2, %get3A_3, %get3A_4] : memref<2x1000x128xf32, #tpu.memory_space<vmem>>, vector<1x1000x128xf32>
    %get3A_6 = vector.shape_cast %get3A_5 : vector<1x1000x128xf32> to vector<1000x128xf32>
    %add3A = arith.addf %get3A_1, %get3A_6 : vector<1000x128xf32>
    %get3A_7 = arith.constant 1 : index
    %get3A_8 = arith.constant 0 : index
    %get3A_9 = arith.constant 0 : index
    %get3A_10 = vector.load %arg2[%get3A_7, %get3A_8, %get3A_9] : memref<2x1000x128xf32, #tpu.memory_space<vmem>>, vector<1x1000x128xf32>
    %get3A_11 = vector.shape_cast %get3A_10 : vector<1x1000x128xf32> to vector<1000x128xf32>
    %add3A_12 = arith.addf %add3A, %get3A_11 : vector<1000x128xf32>
    %get3A_13 = arith.constant 0 : index
    %get3A_14 = arith.constant 0 : index
    %get3A_15 = vector.load %arg3[%get3A_13, %get3A_14] : memref<128x128xf32, #tpu.memory_space<vmem>>, vector<128x128xf32>
    %dot_general3A = arith.constant dense<0.000000e+00> : vector<1000x128xf32>
    %dot_general3A_16 = tpu.matmul %add3A_12, %get3A_15, %dot_general3A {dimension_numbers = #tpu.dot_dimension_numbers<[1], [0], [0], [1], [0, 0, 1, 1], [], []>, transpose_lhs_hint = false} : vector<1000x128xf32>, vector<128x128xf32>, vector<1000x128xf32> -> vector<1000x128xf32>
    %get3A_17 = arith.constant 0 : index
    %get3A_18 = arith.constant 0 : index
    %get3A_19 = vector.load %arg4[%get3A_17, %get3A_18] : memref<1x128xf32, #tpu.memory_space<vmem>>, vector<1x128xf32>
    %add3A_20 = vector.broadcast %get3A_19 : vector<1x128xf32> to vector<1000x128xf32>
    %add3A_21 = arith.addf %dot_general3A_16, %add3A_20 : vector<1000x128xf32>
    %max3A = arith.constant 0.000000e+00 : f32
    %max3A_22 = vector.broadcast %max3A : f32 to vector<1000x128xf32>
    %max3A_23 = arith.maximumf %add3A_21, %max3A_22 : vector<1000x128xf32>
    %get3A_24 = arith.constant 0 : index
    %get3A_25 = arith.constant 0 : index
    %get3A_26 = vector.load %arg5[%get3A_24, %get3A_25] : memref<128x128xf32, #tpu.memory_space<vmem>>, vector<128x128xf32>
    %dot_general3A_27 = arith.constant dense<0.000000e+00> : vector<1000x128xf32>
    %dot_general3A_28 = tpu.matmul %max3A_23, %get3A_26, %dot_general3A_27 {dimension_numbers = #tpu.dot_dimension_numbers<[1], [0], [0], [1], [0, 0, 1, 1], [], []>, transpose_lhs_hint = false} : vector<1000x128xf32>, vector<128x128xf32>, vector<1000x128xf32> -> vector<1000x128xf32>
    %get3A_29 = arith.constant 0 : index
    %get3A_30 = arith.constant 0 : index
    %get3A_31 = vector.load %arg6[%get3A_29, %get3A_30] : memref<1x128xf32, #tpu.memory_space<vmem>>, vector<1x128xf32>
    %add3A_32 = vector.broadcast %get3A_31 : vector<1x128xf32> to vector<1000x128xf32>
    %add3A_33 = arith.addf %dot_general3A_28, %add3A_32 : vector<1000x128xf32>
    %max3A_34 = arith.constant 0.000000e+00 : f32
    %max3A_35 = vector.broadcast %max3A_34 : f32 to vector<1000x128xf32>
    %max3A_36 = arith.maximumf %add3A_33, %max3A_35 : vector<1000x128xf32>
    %eq3A = arith.constant 0 : i32
    %eq3A_37 = arith.cmpi eq, %arg0, %eq3A : i32
    %convert_element_type3A = arith.extui %eq3A_37 : i1 to i32
    %cond3A = arith.constant 0 : i32
    %cond3A_38 = arith.cmpi ne, %convert_element_type3A, %cond3A : i32
    scf.if %cond3A_38 {
      %broadcast_in_dim3A_48 = arith.constant 0.000000e+00 : f32
      %broadcast_in_dim3A_49 = vector.broadcast %broadcast_in_dim3A_48 : f32 to vector<1x128xf32>
      %swap3A_50 = arith.constant 0 : index
      %swap3A_51 = arith.constant 0 : index
      %swap3A_52 = vector.load %arg7[%swap3A_50, %swap3A_51] : memref<1x128xf32, #tpu.memory_space<vmem>>, vector<1x128xf32>
      tpu.vector_store %arg7[%swap3A_50, %swap3A_51], %broadcast_in_dim3A_49 {strides = array<i32>} : memref<1x128xf32, #tpu.memory_space<vmem>>, vector<1x128xf32>,
    } else {
    }
    %get3A_39 = arith.constant 0 : index
    %get3A_40 = arith.constant 0 : index
    %get3A_41 = vector.load %arg7[%get3A_39, %get3A_40] : memref<1x128xf32, #tpu.memory_space<vmem>>, vector<1x128xf32>
    %reduce_sum3A = arith.constant dense<0.000000e+00> : vector<128xf32>
    %reduce_sum3A_42 = vector.multi_reduction <add>, %max3A_36, %reduce_sum3A [0] : vector<1000x128xf32> to vector<128xf32>
    %broadcast_in_dim3A = vector.shape_cast %reduce_sum3A_42 : vector<128xf32> to vector<1x128xf32>
    %mul3A = arith.constant 9.99999974E-5 : f32
    %mul3A_43 = vector.broadcast %mul3A : f32 to vector<1x128xf32>
    %mul3A_44 = arith.mulf %broadcast_in_dim3A, %mul3A_43 : vector<1x128xf32>
    %add3A_45 = arith.addf %get3A_41, %mul3A_44 : vector<1x128xf32>
    %swap3A = arith.constant 0 : index
    %swap3A_46 = arith.constant 0 : index
    %swap3A_47 = vector.load %arg7[%swap3A, %swap3A_46] : memref<1x128xf32, #tpu.memory_space<vmem>>, vector<1x128xf32>
    tpu.vector_store %arg7[%swap3A, %swap3A_46], %add3A_45 {strides = array<i32>} : memref<1x128xf32, #tpu.memory_space<vmem>>, vector<1x128xf32>,
    return
  }
  func.func @transform_0(%arg0: i32) -> (i32, i32) {
    %c0_i32 = arith.constant 0 : i32
    %c0_i32_0 = arith.constant 0 : i32
    return %arg0, %c0_i32 : i32, i32
  }
  func.func @transform_1(%arg0: i32) -> (i32, i32, i32) {
    %c0_i32 = arith.constant 0 : i32
    %c0_i32_0 = arith.constant 0 : i32
    %c0_i32_1 = arith.constant 0 : i32
    return %c0_i32, %arg0, %c0_i32_0 : i32, i32, i32
  }
  func.func @transform_2(%arg0: i32) -> (i32, i32) {
    %c0_i32 = arith.constant 0 : i32
    %c0_i32_0 = arith.constant 0 : i32
    %c0_i32_1 = arith.constant 0 : i32
    return %c0_i32, %c0_i32_0 : i32, i32
  }
  func.func @transform_3(%arg0: i32) -> (i32, i32) {
    %c0_i32 = arith.constant 0 : i32
    %c0_i32_0 = arith.constant 0 : i32
    %c0_i32_1 = arith.constant 0 : i32
    return %c0_i32, %c0_i32_0 : i32, i32
  }
  func.func @transform_4(%arg0: i32) -> (i32, i32) {
    %c0_i32 = arith.constant 0 : i32
    %c0_i32_0 = arith.constant 0 : i32
    %c0_i32_1 = arith.constant 0 : i32
    return %c0_i32, %c0_i32_0 : i32, i32
  }
  func.func @transform_5(%arg0: i32) -> (i32, i32) {
    %c0_i32 = arith.constant 0 : i32
    %c0_i32_0 = arith.constant 0 : i32
    %c0_i32_1 = arith.constant 0 : i32
    return %c0_i32, %c0_i32_0 : i32, i32
  }
  func.func @transform_6(%arg0: i32) -> (i32, i32) {
    %c0_i32 = arith.constant 0 : i32
    %c0_i32_0 = arith.constant 0 : i32
    %c0_i32_1 = arith.constant 0 : i32
    return %c0_i32, %c0_i32_0 : i32, i32
  }
}

</mosaic_0001>

<sc_bundles>
// kernel: kernel.6.cloned.1.call-start
scs
__scs_entry_jumppad:
0x0: {  	(pc) =	sbr.rel $0x88, $3  }
0x1: {  	(tag) =	ssettag $0x0;
	lr =	simm.s32 $0x1  }
0x2: {  	[smem:$0x3F97] =	sst lr;
	_ =	strace $0xD0000000  }
0x3: {  	_ = 	snop  }
0x4: {  	_ = 	snop  }
0x5: {  	_ = 	snop  }
0x6: {  	_ = 	snop  }
0x7: {  	_ = 	snop  }
__scs_overlays_trampoline_lowered:
0x8: {  	[smem:$0x3FA6] =	sst s0  }
0x9: {  	[smem:$0x3FA7] =	sst s1  }
0xa: {  	[smem:$0x3FA8] =	sst s2  }
0xb: {  	[smem:$0x3FA9] =	sst s3  }
0xc: {  	[smem:$0x3FAA] =	sst s4  }
0xd: {  	[smem:$0x3FAB] =	sst s5  }
0xe: {  	[smem:$0x3FAC] =	sst s6  }
0xf: {  	[smem:$0x3FAD] =	sst s7  }
0x10: {  	[smem:$0x3FAE] =	sst s8  }
0x11: {  	[smem:$0x3FAF] =	sst s9;
	s0 =	simm.s32 @!p0 $0x0  }
0x12: {  	s1 =	sld [smem:$0x3F95];
	s0 =	simm.s32 @p0 $0x1  }
0x13: {  	[smem:$0x3FB0] =	sst s0;
	s0 =	simm.s32 @!p1 $0x0  }
0x14: {  	s2 =	sld [smem:$0x3F94];
	s0 =	simm.s32 @p1 $0x1  }
0x15: {  	[smem:$0x3FB1] =	sst s0;
	s0 =	simm.s32 @!p2 $0x0  }
0x16: {  	s3 =	sld [smem:$0x3FDB];
	s0 =	simm.s32 @p2 $0x1  }
0x17: {  	s4 =	simm.s32 $0x1BF5;
	[smem:$0x3FB3] =	sst s0  }
0x18: {  	s0 =	sld [smem:$0x3F96];
	_ =	swait.ge [sflag:s4], $0x0  }
0x19: {  	s7 =	sld [smem:$0x3F97]  }
0x1a: {  	s8 =	sadd.s32 $0xFFFFE003, lr  }
0x1b: {  	s9 =	sadd.s32 $0xFFFFFEF7, lr;
	s5 =	simm.s32 $0xFFFFFFFF;
	p2 =	slt.u32 s8, $0xFFFFF086  }
0x1c: {  	p1 =	slt.u32 s9, $0xF7A;
	s5 =	simm.s32 @!p2 $0x0  }
0x1d: {  	s5 =	simm.s32 @p1 $0x1;
	p0 =	seq.s32 s7, s2  }
0x1e: {  	s7 =	smul.u32 @!p0 $0xF7A, s2;
	p2 =	seq.s32 @!p0 s5, $0x0  }
0x1f: {  	s9 =	smul.u32 $0xF7A, s1;
	s8 =	simm.s32 @!p0 $0x1BF5;
	p2 =	por !p2, p0  }
0x20: {  	[sflag:s8] =	ssyncset.s32 @!p0 $0xFFFFF086;
	s6 =	sadd.s32 @!p0 s3, s7;
	s7 =	simm.s32 @!p0 $0x108  }
0x21: {  	s3 =	sadd.s32 s3, s9;
	s6 =	sadd.s32 @!p0 $0x88, s6;
	s7 =	simm.s32 @p2 $0x1082  }
0x22: {  	[simem:s7], [sflag:s8] =	dma.local @!p0 [hbm:s6], $0xF7A  }
0x23: {  	s9 =	sor.u32 $0xD0000000, s2;
	s6 =	simm.s32 $0x108;
	_ =	swait.ge @!p0 [sflag:s8], $0x0  }
0x24: {  	s3 =	sadd.s32 $0x88, s3;
	s6 =	simm.s32 @!p1 $0x1082;
	[sflag:s4] =	ssyncset.s32 $0xFFFFF086  }
0x25: {  	[simem:s6], [sflag:s4] =	dma.local [hbm:s3], $0xF7A  }
0x26: {  	[smem:$0x3F97] =	sst s1;
	(tag) =	ssettag s2;
	_ =	strace s9  }
0x27: {  	s1 =	sld [smem:$0x3FA7]  }
0x28: {  	s2 =	sld [smem:$0x3FA8]  }
0x29: {  	s4 =	sld [smem:$0x3FAA]  }
0x2a: {  	p0 =	seq.s32 s5, $0x0;
	s5 =	sld [smem:$0x3FAB]  }
0x2b: {  	s6 =	sld [smem:$0x3FAC]  }
0x2c: {  	s7 =	sld [smem:$0x3FAD]  }
0x2d: {  	s3 =	simm.s32 $0x108;
	s8 =	sld [smem:$0x3FAE]  }
0x2e: {  	s3 =	simm.s32 @!p0 $0x1082;
	s9 =	sld [smem:$0x3FAF]  }
0x2f: {  	lr =	sadd.s32 s0, s3;
	s0 =	sld [smem:$0x3FA6]  }
0x30: {  	s3 =	sld [smem:$0x3FA9]  }
0x31: {  	[smem:$0x3FB2] =	sst s10  }
0x32: {  	s10 =	sld [smem:$0x3FB0];
	_ =	sdelay $0x3  }
0x33: {  	p0 =	seq.s32 s10, $0x1;
	s10 =	sld [smem:$0x3FB2];
	_ =	sdelay $0x3  }
0x34: {  	[smem:$0x3FB2] =	sst s10  }
0x35: {  	s10 =	sld [smem:$0x3FB1];
	_ =	sdelay $0x3  }
0x36: {  	p1 =	seq.s32 s10, $0x1;
	s10 =	sld [smem:$0x3FB2];
	_ =	sdelay $0x3  }
0x37: {  	[smem:$0x3FB2] =	sst s10  }
0x38: {  	s10 =	sld [smem:$0x3FB3]  }
0x39: {  	_ = 	snop;
	(pc) =	sbr.ind lr, $3  }
0x3a: {  	_ = 	snop  }
0x3b: {  	_ = 	snop  }
0x3c: {  	p2 =	seq.s32 s10, $0x1;
	s10 =	sld [smem:$0x3FB2]  }
0x3d: {  	_ =	shalt  }
0x3e: {  	_ =	shalt  }
0x3f: {  	_ =	shalt  }
0x40: {  	_ =	shalt  }
0x41: {  	_ =	shalt  }
0x42: {  	_ =	shalt  }
0x43: {  	_ =	shalt  }
0x44: {  	_ =	shalt  }
0x45: {  	_ =	shalt  }
0x46: {  	_ =	shalt  }
0x47: {  	_ =	shalt  }
0x48: {  	_ =	shalt  }
0x49: {  	_ =	shalt  }
0x4a: {  	_ =	shalt  }
0x4b: {  	_ =	shalt  }
0x4c: {  	_ =	shalt  }
0x4d: {  	_ =	shalt  }
0x4e: {  	_ =	shalt  }
0x4f: {  	_ =	shalt  }
0x50: {  	_ =	shalt  }
0x51: {  	_ =	shalt  }
0x52: {  	_ =	shalt  }
0x53: {  	_ =	shalt  }
0x54: {  	_ =	shalt  }
0x55: {  	_ =	shalt  }
0x56: {  	_ =	shalt  }
0x57: {  	_ =	shalt  }
0x58: {  	_ =	shalt  }
0x59: {  	_ =	shalt  }
0x5a: {  	_ =	shalt  }
0x5b: {  	_ =	shalt  }
0x5c: {  	_ =	shalt  }
0x5d: {  	_ =	shalt  }
0x5e: {  	_ =	shalt  }
0x5f: {  	_ =	shalt  }
0x60: {  	_ =	shalt  }
0x61: {  	_ =	shalt  }
0x62: {  	_ =	shalt  }
0x63: {  	_ =	shalt  }
0x64: {  	_ =	shalt  }
0x65: {  	_ =	shalt  }
0x66: {  	_ =	shalt  }
0x67: {  	_ =	shalt  }
0x68: {  	_ =	shalt  }
0x69: {  	_ =	shalt  }
0x6a: {  	_ =	shalt  }
0x6b: {  	_ =	shalt  }
0x6c: {  	_ =	shalt  }
0x6d: {  	_ =	shalt  }
0x6e: {  	_ =	shalt  }
0x6f: {  	_ =	shalt  }
0x70: {  	_ =	shalt  }
0x71: {  	_ =	shalt  }
0x72: {  	_ =	shalt  }
0x73: {  	_ =	shalt  }
0x74: {  	_ =	shalt  }
0x75: {  	_ =	shalt  }
0x76: {  	_ =	shalt  }
0x77: {  	_ =	shalt  }
0x78: {  	_ =	shalt  }
0x79: {  	_ =	shalt  }
0x7a: {  	_ =	shalt  }
0x7b: {  	_ =	shalt  }
0x7c: {  	_ =	shalt  }
0x7d: {  	_ =	shalt  }
0x7e: {  	_ =	shalt  }
0x7f: {  	_ =	shalt  }
0x80: {  	_ =	shalt  }
0x81: {  	_ =	shalt  }
0x82: {  	_ =	shalt  }
0x83: {  	_ =	shalt  }
0x84: {  	_ =	shalt  }
0x85: {  	_ =	shalt  }
0x86: {  	_ =	shalt  }
0x87: {  	_ =	shalt  }
.Lfunc_end0:
.L_simem_size_0:
called_computation_lowered:
.L_overlay_start_0:
0x88: {  	s2 =	sld [smem:$0x3FD9]  }
0x89: {  	s3 =	sld [smem:$0x3FFE];
	_ =	sdelay $0x1  }
0x8a: {  	s1 =	srdreg.scid  }
0x8b: {  	s0 =	sand.u32 $0x1, s1  }
0x8c: {  	s17 =	sshll.u32 s0, $0xA;
	s2 =	sadd.s32 s3, s2  }
0x8d: {  	s2 =	sadd.s32 s2, s17  }
0x8e: {  	[smem:$0x3FBE] =	sst s2  }
0x8f: {  	_ = 	snop  }
0x90: {  	s2 =	sld [smem:$0x3FC9];
	(tm) =	ssettm $0x1  }
0x91: {  	s18 =	sld [smem:$0x3FFB];
	_ =	sdelay $0x3  }
0x92: {  	_ =	strace s18  }
0x93: {  	s3 =	sld [smem:$0x3FFC];
	_ =	sdelay $0x3  }
0x94: {  	_ =	strace s3  }
0x95: {  	s3 =	sld [smem:$0x3FFD];
	_ =	sdelay $0x3  }
0x96: {  	_ =	strace s3  }
0x97: {  	_ =	strace $0x8FFFFFFF  }
0x98: {  	s19 =	sld [smem:$0x3FDB];
	_ =	sdelay $0x1  }
0x99: {  	s4 =	simm.s32 $_scs_section_size  }
0x9a: {  	s5 =	simm.s32 $_size__tile_overlayer_lowered;
	s6 =	simm.s32 $_tile_overlayer_lowered  }
0x9b: {  	s22 =	simm.s32 $0x1BFF;
	s21 =	sshll.u32 s6, $0x1;
	s3 =	sadd.s32 s4, s19  }
0x9c: {  	s7 =	simm.s32 $0x0;
	s20 =	sshll.u32 s5, $0x1;
	s5 =	sadd.s32 s21, s3  }
0x9d: {  	[timem:s7], [sflag:s22] =	dma.local [hbm:s5], s20  }
0x9e: {  	_ =	swait.ge [sflag:s22], s20  }
0x9f: {  	s4 =	ssub.s32 $0x0, s20;
	[sflag:s22] =	ssyncset.done $0x0  }
0xa0: {  	[sflag:s22] =	ssyncadd.s32 s4;
	_ =	sdelay $0x1  }
0xa1: {  	s23 =	simm.s32 $0x1B8B  }
0xa2: {  	_ =	swait.ge [sflag:s23], $0x1  }
0xa3: {  	[sflag:s23] =	ssyncset.done $0x0  }
0xa4: {  	s25 =	simm.s32 $0x1B8E;
	s24 =	sld [smem:$0x3FFE];
	[sflag:s23] =	ssyncadd.s32 $0xFFFFFFFF  }
0xa5: {  	s26 =	simm.s32 $execute0_lowered;
	[smem:$0x3FD2] =	sst s25  }
0xa6: {  	s5 =	sshll.u32 s26, $0x1;
	_ =	strace $0x80000046;
	[dreg:$0x1] =	wrdreg $0xFFFFFFFF  }
0xa7: {  	s28 =	simm.s32 $_size_execute0_lowered;
	s3 =	sadd.s32 s3, s5;
	[dreg:$0x0] =	wrdreg $0x0  }
0xa8: {  	s5 =	sshll.u32 s28, $0x1;
	[dreg:$0x2] =	wrdreg s3  }
0xa9: {  	[dreg:$0x3] =	wrdreg s5  }
0xaa: {  	[dreg:$0x4] =	wrdreg $0xC0  }
0xab: {  	_ =	task [dreg:s7], $0x5FFFF  }
0xac: {  	[dreg:$0x1] =	wrdreg $0xFFFFFFFF  }
0xad: {  	[dreg:$0x0] =	wrdreg $0x60  }
0xae: {  	[dreg:$0x2] =	wrdreg s2  }
0xaf: {  	[dreg:$0x3] =	wrdreg s24  }
0xb0: {  	[dreg:$0x4] =	wrdreg $0x90000  }
0xb1: {  	[dreg:$0x5] =	wrdreg $0x9  }
0xb2: {  	_ =	task.clear_ibuf [dreg:s7], $0x6FFFF;
	_ =	strace $0x90000046  }
0xb3: {  	s29 =	simm.s32 $0x9;
	_ =	strace $0x80000048  }
0xb4: {  	_ =	swait.ge [sflag:s29], $0x1  }
0xb5: {  	[sflag:s29] =	ssyncadd.s32 $0xFFFFFFFF  }
0xb6: {  	_ =	strace $0x90000048  }
0xb7: {  	_ =	sfence  }
0xb8: {  	s30 =	sld [smem:$0x0];
	_ =	sdelay $0x2  }
0xb9: {  	s31 =	sshll.u32 s1, $0xD;
	s1 =	sshrl.u32 s1, $0x2  }
0xba: {  	s3 =	sand.u32 $0x4000, s31;
	s1 =	sadd.s32 s1, s30  }
0xbb: {  	s0 =	sor.u32 s3, s0;
	s1 =	sshll.u32 s1, $0x11  }
0xbc: {  	s0 =	sor.u32 s1, s0  }
0xbd: {  	s0 =	sadd.s32 $0x8F2B, s0  }
0xbe: {  	[sflag:s0] =	ssyncadd.remote.s32 $0x1  }
0xbf: {  	_ =	sfence.sel $0xFFFF  }
0xc0: {  	[dreg:$0x0] =	wrdreg $0xFFFFFFFF;
	(pc) =	sbr.abs _section_cstart, $3  }
0xc1: {  	[dreg:$0x1] =	wrdreg $0xFFFFFFFF  }
0xc2: {  	_ =	task.clear_ibuf [dreg:s7], $0x2FFFF;
	_ =	strace $0x9FFFFFFF  }
0xc3: {  	(tm) =	ssettm $0x7FFFFFFF  }
tec
execute0_lowered:
.L_overlay_start_1:
0x0: {  	(tag) =	ssettag $0x1  }
0x1: {  	s1 =	rddreg [dreg:$0x0]  }
0x2: {  	s0 =	srdreg.scid;
	s6 =	rddreg [dreg:$0x1]  }
0x3: {  	s3 =	rddreg [dreg:$0x2];
	s14 =	simm.s32 $0x400;
	s15 =	simm.s32 $0x3  }
0x4: {  	s16 =	simm.s32 $0x1;
	s5 =	sand.u32 $0x1, s0;
	s0 =	stileid.u32  }
0x5: {  	s17 =	simm.s32 $0x2;
	s18 =	simm.s32 $0x5000;
	s29 =	smul.u32 $0x14000, s0  }
0x6: {  	s20 =	simm.s32 $0x0;
	s2 =	sshll.u32 s5, $0x4;
	s10 =	smul.u32 $0x140000, s5  }
0x7: {  	s9 =	sshll.u32 s0, $0x7;
	s5 =	ssub.s32 $0x2, s5;
	s30 =	smul.u32 $0x50000, s0  }
0x8: {  	s19 =	sshll.u32 s0, $0x6;
	s7 =	sor.u32 s0, s2;
	s2 =	rddreg [dreg:$0x3]  }
0x9: {  	s9 =	sand.u32 $0x380, s9;
	s12 =	sshrl.u32 s5, $0x1;
	s4 =	sshrl.u32 s7, $0x3  }
0xa: {  	s7 =	smul.u32 $0x500, s7;
	s11 =	sshrl.u32 s29, $0x3;
	s12 =	ssub.s32 s5, s12  }
0xb: {  	s31 =	sshrl.u32 s30, $0x2;
	s8 =	smul.u32 $0x14000, s4;
	s4 =	simm.s32 $0x0  }
0xc: {  	s11 =	sadd.s32 s11, s6;
	s13 =	sadd.s32 s31, s3;
	[smem:$0x7FF] =	sst s4  }
0xd: {  	s7 =	sadd.s32 s7, s6;
	s5 =	sadd.s32 $0x16000, s11;
	s11 =	sshrl.u32 s13, $0x3  }
0xe: {  	s13 =	simm.s32 $0x80;
	s8 =	sor.u32 s9, s8;
	_ =	strace $0x80000047  }
0xf: {  	s9 =	sadd.s32 s29, s10;
	s7 =	sadd.s32 $0x2000, s7;
	s10 =	smax.u32 s12, $0x1  }
0x10: {  	s12 =	simm.s32 $0x2800;
	s8 =	sshrl.u32 s8, $0x3;
	s9 =	sshrl.u32 s9, $0x3  }
0x11: {  	s8 =	sadd.s32 s8, s6;
	s9 =	sadd.s32 s9, s6;
	s6 =	sor.u32 $0x1C01, s19  }
0x12: {  	s19 =	sor.u32 $0x1C03, s19;
	s8 =	sadd.s32 $0xC000, s8;
	s9 =	sadd.s32 $0x3E000, s9  }
.LBB2_1:
0x13: {  	[spmem:s11], [sflag:s6] =	dma.local [hbm:s5], $0x2800  }
0x14: {  	[tilespmem:s12], [sflag:$0x2] =	stream.linear.gather [hbm4b:s7+s4], $0x2800, $0x38;
	[tilespmem:$0x1D000] =	vst v63  }
0x15: {  	_ = 	snop  }
0x16: {  	[tilespmem:s4], [sflag:$0x3] =	stream.strided.gather [hbm4b:s8+s13], $0x2800, s14, s13, $0x38;
	[tilespmem:$0x1D000] =	vst v63  }
0x17: {  	_ =	swait.ge [sflag:s15], $0x2800  }
0x18: {  	[sflag:s15] =	ssyncset.done $0x0  }
0x19: {  	[sflag:s15] =	ssyncadd.s32 $0xFFFFD800  }
0x1a: {  	_ =	swait.ge [sflag:s16], $0x2800  }
0x1b: {  	[sflag:s16] =	ssyncset.done $0x0  }
0x1c: {  	[sflag:s16] =	ssyncadd.s32 $0xFFFFD800  }
0x1d: {  	_ =	swait.ge [sflag:s17], $0x2800  }
0x1e: {  	[sflag:s17] =	ssyncset.done $0x0  }
0x1f: {  	[sflag:s17] =	ssyncadd.s32 $0xFFFFD800  }
0x20: {  	s21 =	simm.s32 $0x0;
	[bflag:$0x0] =	sbarrier.arrive $0xFFFF  }
0x21: {  	[tilespmem:s18], [sflag:$0x3] =	stream.indirect.gather [hbm4b:s1+s13], $0x80, s21, s13, $0xb8;
	[tilespmem:$0x1D000] =	vst v63  }
0x22: {  	_ =	swait.ge [sflag:s15], $0x4000  }
0x23: {  	[sflag:s15] =	ssyncset.done $0x0  }
0x24: {  	s31 =	simm.s32 $0x2800;
	[sflag:s15] =	ssyncadd.s32 $0xFFFFC000  }
0x25: {  	[spmem:s3] =	stream.indirect.scatter.add.f32 [tilespmem:s18], [sflag:$0x3], $0x80, s31, s13, $0xb8;
	[tilespmem:$0x1D000] =	vst v63  }
0x26: {  	_ =	swait.ge [sflag:s15], $0x4000  }
0x27: {  	s22 =	simm.s32 $0x400;
	s21 =	simm.s32 $0x200;
	[sflag:s15] =	ssyncset.done $0x0  }
.LBB2_2:
0x28: {  	s23 =	sshra.s32 s21, $0x2  }
0x29: {  	[sflag:s15] =	ssyncadd.s32 $0xFFFFC000;
	s21 =	smov.u32 s22;
	s24 =	sadd.s32 $0x200, s22  }
0x2a: {  	[tilespmem:s18], [sflag:$0x3] =	stream.indirect.gather [hbm4b:s1+s13], $0x80, s23, s13, $0xb8;
	[tilespmem:$0x1D000] =	vst v63  }
0x2b: {  	p0 =	sne.s32 s22, $0x9E00;
	_ =	swait.ge [sflag:s15], $0x4000  }
.Ltmp0:
0x2c: {  	[sflag:s15] =	ssyncset.done $0x0;
	(pc) =	sbr.rel @p0 .LBB2_2-.Ltmp0, $4  }
0x2d: {  	s22 =	sadd.s32 $0x2800, s23;
	[sflag:s15] =	ssyncadd.s32 $0xFFFFC000  }
0x2e: {  	[spmem:s3] =	stream.indirect.scatter.add.f32 [tilespmem:s18], [sflag:$0x3], $0x80, s22, s13, $0xb8;
	[tilespmem:$0x1D000] =	vst v63  }
0x2f: {  	_ =	swait.ge [sflag:s15], $0x4000  }
0x30: {  	s22 =	smov.u32 s24;
	[sflag:s15] =	ssyncset.done $0x0  }
0x31: {  	s21 =	sshra.s32 s21, $0x2;
	[sflag:s15] =	ssyncadd.s32 $0xFFFFC000  }
0x32: {  	[tilespmem:s18], [sflag:$0x3] =	stream.indirect.gather [hbm4b:s1+s13], $0x80, s21, s13, $0xb8;
	[tilespmem:$0x1D000] =	vst v63  }
0x33: {  	_ =	swait.ge [sflag:s15], $0x4000  }
0x34: {  	[sflag:s15] =	ssyncset.done $0x0  }
0x35: {  	s21 =	sadd.s32 $0x2800, s21;
	[sflag:s15] =	ssyncadd.s32 $0xFFFFC000  }
0x36: {  	[spmem:s3] =	stream.indirect.scatter.add.f32 [tilespmem:s18], [sflag:$0x3], $0x80, s21, s13, $0xb8;
	[tilespmem:$0x1D000] =	vst v63  }
0x37: {  	_ =	swait.ge [sflag:s15], $0x4000  }
0x38: {  	s20 =	sadd.s32 $0x1, s20;
	[sflag:s15] =	ssyncset.done $0x0  }
0x39: {  	p0 =	sne.s32 s20, s10;
	[sflag:s15] =	ssyncadd.s32 $0xFFFFC000  }
.Ltmp1:
0x3a: {  	[bflag:$0x0] =	sbarrier.arrive $0xFFFF;
	(pc) =	sbr.rel @p0 .LBB2_1-.Ltmp1, $4  }
0x3b: {  	[hbm:s9], [sflag:s19] =	dma.local [spmem:s11], $0x2800  }
0x3c: {  	_ =	swait.ge [sflag:s15], $0x2800  }
0x3d: {  	[sflag:s15] =	ssyncset.done $0x0  }
0x3e: {  	[sflag:s15] =	ssyncadd.s32 $0xFFFFD800  }
0x3f: {  	_ =	sfence.sel $0x180000  }
0x40: {  	[bflag:$0x0] =	sbarrier.arrive $0xFFFF  }
0x41: {  	p0 =	sne.s32 s0, $0x0;
	_ =	strace $0x90000047  }
0x42: {  	s0 =	sadd.s32 @!p0 $0x100000, s2;
	[bflag:$0x2] =	sbarrier.arrive $0xFFFF  }
0x43: {  	[sflag:s0] =	ssyncadd.tile.s32 @!p0 $0x1;
	_ =	shalt  }
.Lfunc_end2:
_tile_overlayer_lowered:
.L_overlay_start_2:
0x44: {  	(tag) =	ssettag $0x2  }
0x45: {  	s0 =	rddreg [dreg:$0x0];
	s2 =	stileid.u32  }
0x46: {  	s1 =	rddreg [dreg:$0x1];
	p0 =	sne.s32 s2, $0x0  }
0x47: {  	s3 =	rddreg [dreg:$0x2];
	[bflag:$0x3] =	sbarrier.arrive $0xFFFF;
	s2 =	simm.s32 @!p0 $0x1C03  }
0x48: {  	[timem:s3], [sflag:s2] =	dma.local @!p0 [hbm:s0], s1  }
0x49: {  	s0 =	simm.s32 @!p0 $0x3  }
0x4a: {  	_ =	swait.ge @!p0 [sflag:s0], s1  }
0x4b: {  	s1 =	ssub.s32 @!p0 $0x0, s1;
	[sflag:s0] =	ssyncset.done @!p0 $0x0  }
0x4c: {  	[sflag:s0] =	ssyncadd.s32 @!p0 s1  }
0x4d: {  	[bflag:$0x3] =	sbarrier.arrive $0xFFFF  }
0x4e: {  	_ =	shalt  }

// kernel: kernel.9.cloned.1.call-start
scs
__scs_entry_jumppad:
0x0: {  	(pc) =	sbr.rel $0x88, $3  }
0x1: {  	(tag) =	ssettag $0x0;
	lr =	simm.s32 $0x1  }
0x2: {  	[smem:$0x3F97] =	sst lr;
	_ =	strace $0xD0000000  }
0x3: {  	_ = 	snop  }
0x4: {  	_ = 	snop  }
0x5: {  	_ = 	snop  }
0x6: {  	_ = 	snop  }
0x7: {  	_ = 	snop  }
__scs_overlays_trampoline_lowered:
0x8: {  	[smem:$0x3FA6] =	sst s0  }
0x9: {  	[smem:$0x3FA7] =	sst s1  }
0xa: {  	[smem:$0x3FA8] =	sst s2  }
0xb: {  	[smem:$0x3FA9] =	sst s3  }
0xc: {  	[smem:$0x3FAA] =	sst s4  }
0xd: {  	[smem:$0x3FAB] =	sst s5  }
0xe: {  	[smem:$0x3FAC] =	sst s6  }
0xf: {  	[smem:$0x3FAD] =	sst s7  }
0x10: {  	[smem:$0x3FAE] =	sst s8  }
0x11: {  	[smem:$0x3FAF] =	sst s9;
	s0 =	simm.s32 @!p0 $0x0  }
0x12: {  	s1 =	sld [smem:$0x3F95];
	s0 =	simm.s32 @p0 $0x1  }
0x13: {  	[smem:$0x3FB0] =	sst s0;
	s0 =	simm.s32 @!p1 $0x0  }
0x14: {  	s2 =	sld [smem:$0x3F94];
	s0 =	simm.s32 @p1 $0x1  }
0x15: {  	[smem:$0x3FB1] =	sst s0;
	s0 =	simm.s32 @!p2 $0x0  }
0x16: {  	s3 =	sld [smem:$0x3FDB];
	s0 =	simm.s32 @p2 $0x1  }
0x17: {  	s4 =	simm.s32 $0x1BF5;
	[smem:$0x3FB3] =	sst s0  }
0x18: {  	s0 =	sld [smem:$0x3F96];
	_ =	swait.ge [sflag:s4], $0x0  }
0x19: {  	s7 =	sld [smem:$0x3F97]  }
0x1a: {  	s8 =	sadd.s32 $0xFFFFE003, lr  }
0x1b: {  	s9 =	sadd.s32 $0xFFFFFEF7, lr;
	s5 =	simm.s32 $0xFFFFFFFF;
	p2 =	slt.u32 s8, $0xFFFFF086  }
0x1c: {  	p1 =	slt.u32 s9, $0xF7A;
	s5 =	simm.s32 @!p2 $0x0  }
0x1d: {  	s5 =	simm.s32 @p1 $0x1;
	p0 =	seq.s32 s7, s2  }
0x1e: {  	s7 =	smul.u32 @!p0 $0xF7A, s2;
	p2 =	seq.s32 @!p0 s5, $0x0  }
0x1f: {  	s9 =	smul.u32 $0xF7A, s1;
	s8 =	simm.s32 @!p0 $0x1BF5;
	p2 =	por !p2, p0  }
0x20: {  	[sflag:s8] =	ssyncset.s32 @!p0 $0xFFFFF086;
	s6 =	sadd.s32 @!p0 s3, s7;
	s7 =	simm.s32 @!p0 $0x108  }
0x21: {  	s3 =	sadd.s32 s3, s9;
	s6 =	sadd.s32 @!p0 $0x88, s6;
	s7 =	simm.s32 @p2 $0x1082  }
0x22: {  	[simem:s7], [sflag:s8] =	dma.local @!p0 [hbm:s6], $0xF7A  }
0x23: {  	s9 =	sor.u32 $0xD0000000, s2;
	s6 =	simm.s32 $0x108;
	_ =	swait.ge @!p0 [sflag:s8], $0x0  }
0x24: {  	s3 =	sadd.s32 $0x88, s3;
	s6 =	simm.s32 @!p1 $0x1082;
	[sflag:s4] =	ssyncset.s32 $0xFFFFF086  }
0x25: {  	[simem:s6], [sflag:s4] =	dma.local [hbm:s3], $0xF7A  }
0x26: {  	[smem:$0x3F97] =	sst s1;
	(tag) =	ssettag s2;
	_ =	strace s9  }
0x27: {  	s1 =	sld [smem:$0x3FA7]  }
0x28: {  	s2 =	sld [smem:$0x3FA8]  }
0x29: {  	s4 =	sld [smem:$0x3FAA]  }
0x2a: {  	p0 =	seq.s32 s5, $0x0;
	s5 =	sld [smem:$0x3FAB]  }
0x2b: {  	s6 =	sld [smem:$0x3FAC]  }
0x2c: {  	s7 =	sld [smem:$0x3FAD]  }
0x2d: {  	s3 =	simm.s32 $0x108;
	s8 =	sld [smem:$0x3FAE]  }
0x2e: {  	s3 =	simm.s32 @!p0 $0x1082;
	s9 =	sld [smem:$0x3FAF]  }
0x2f: {  	lr =	sadd.s32 s0, s3;
	s0 =	sld [smem:$0x3FA6]  }
0x30: {  	s3 =	sld [smem:$0x3FA9]  }
0x31: {  	[smem:$0x3FB2] =	sst s10  }
0x32: {  	s10 =	sld [smem:$0x3FB0];
	_ =	sdelay $0x3  }
0x33: {  	p0 =	seq.s32 s10, $0x1;
	s10 =	sld [smem:$0x3FB2];
	_ =	sdelay $0x3  }
0x34: {  	[smem:$0x3FB2] =	sst s10  }
0x35: {  	s10 =	sld [smem:$0x3FB1];
	_ =	sdelay $0x3  }
0x36: {  	p1 =	seq.s32 s10, $0x1;
	s10 =	sld [smem:$0x3FB2];
	_ =	sdelay $0x3  }
0x37: {  	[smem:$0x3FB2] =	sst s10  }
0x38: {  	s10 =	sld [smem:$0x3FB3]  }
0x39: {  	_ = 	snop;
	(pc) =	sbr.ind lr, $3  }
0x3a: {  	_ = 	snop  }
0x3b: {  	_ = 	snop  }
0x3c: {  	p2 =	seq.s32 s10, $0x1;
	s10 =	sld [smem:$0x3FB2]  }
0x3d: {  	_ =	shalt  }
0x3e: {  	_ =	shalt  }
0x3f: {  	_ =	shalt  }
0x40: {  	_ =	shalt  }
0x41: {  	_ =	shalt  }
0x42: {  	_ =	shalt  }
0x43: {  	_ =	shalt  }
0x44: {  	_ =	shalt  }
0x45: {  	_ =	shalt  }
0x46: {  	_ =	shalt  }
0x47: {  	_ =	shalt  }
0x48: {  	_ =	shalt  }
0x49: {  	_ =	shalt  }
0x4a: {  	_ =	shalt  }
0x4b: {  	_ =	shalt  }
0x4c: {  	_ =	shalt  }
0x4d: {  	_ =	shalt  }
0x4e: {  	_ =	shalt  }
0x4f: {  	_ =	shalt  }
0x50: {  	_ =	shalt  }
0x51: {  	_ =	shalt  }
0x52: {  	_ =	shalt  }
0x53: {  	_ =	shalt  }
0x54: {  	_ =	shalt  }
0x55: {  	_ =	shalt  }
0x56: {  	_ =	shalt  }
0x57: {  	_ =	shalt  }
0x58: {  	_ =	shalt  }
0x59: {  	_ =	shalt  }
0x5a: {  	_ =	shalt  }
0x5b: {  	_ =	shalt  }
0x5c: {  	_ =	shalt  }
0x5d: {  	_ =	shalt  }
0x5e: {  	_ =	shalt  }
0x5f: {  	_ =	shalt  }
0x60: {  	_ =	shalt  }
0x61: {  	_ =	shalt  }
0x62: {  	_ =	shalt  }
0x63: {  	_ =	shalt  }
0x64: {  	_ =	shalt  }
0x65: {  	_ =	shalt  }
0x66: {  	_ =	shalt  }
0x67: {  	_ =	shalt  }
0x68: {  	_ =	shalt  }
0x69: {  	_ =	shalt  }
0x6a: {  	_ =	shalt  }
0x6b: {  	_ =	shalt  }
0x6c: {  	_ =	shalt  }
0x6d: {  	_ =	shalt  }
0x6e: {  	_ =	shalt  }
0x6f: {  	_ =	shalt  }
0x70: {  	_ =	shalt  }
0x71: {  	_ =	shalt  }
0x72: {  	_ =	shalt  }
0x73: {  	_ =	shalt  }
0x74: {  	_ =	shalt  }
0x75: {  	_ =	shalt  }
0x76: {  	_ =	shalt  }
0x77: {  	_ =	shalt  }
0x78: {  	_ =	shalt  }
0x79: {  	_ =	shalt  }
0x7a: {  	_ =	shalt  }
0x7b: {  	_ =	shalt  }
0x7c: {  	_ =	shalt  }
0x7d: {  	_ =	shalt  }
0x7e: {  	_ =	shalt  }
0x7f: {  	_ =	shalt  }
0x80: {  	_ =	shalt  }
0x81: {  	_ =	shalt  }
0x82: {  	_ =	shalt  }
0x83: {  	_ =	shalt  }
0x84: {  	_ =	shalt  }
0x85: {  	_ =	shalt  }
0x86: {  	_ =	shalt  }
0x87: {  	_ =	shalt  }
.Lfunc_end0:
.L_simem_size_0:
called_computation.1_lowered:
.L_overlay_start_0:
0x88: {  	s2 =	sld [smem:$0x3FD9]  }
0x89: {  	s3 =	sld [smem:$0x3FFE];
	_ =	sdelay $0x1  }
0x8a: {  	s1 =	srdreg.scid  }
0x8b: {  	s0 =	sand.u32 $0x1, s1  }
0x8c: {  	s16 =	sshll.u32 s0, $0xA;
	s2 =	sadd.s32 s3, s2  }
0x8d: {  	s2 =	sadd.s32 s2, s16  }
0x8e: {  	[smem:$0x3FBE] =	sst s2  }
0x8f: {  	_ = 	snop  }
0x90: {  	(tm) =	ssettm $0x1  }
0x91: {  	s17 =	sld [smem:$0x3FFB];
	_ =	sdelay $0x3  }
0x92: {  	_ =	strace s17  }
0x93: {  	s2 =	sld [smem:$0x3FFC];
	_ =	sdelay $0x3  }
0x94: {  	_ =	strace s2  }
0x95: {  	s2 =	sld [smem:$0x3FFD];
	_ =	sdelay $0x3  }
0x96: {  	_ =	strace s2  }
0x97: {  	_ =	strace $0x8FFFFFFF  }
0x98: {  	s18 =	sld [smem:$0x3FDB];
	_ =	sdelay $0x1  }
0x99: {  	s19 =	simm.s32 $_scs_section_size  }
0x9a: {  	s4 =	simm.s32 $_size__tile_overlayer_lowered;
	s5 =	simm.s32 $_tile_overlayer_lowered  }
0x9b: {  	s22 =	simm.s32 $0x1BFF;
	s21 =	sshll.u32 s5, $0x1;
	s2 =	sadd.s32 s19, s18  }
0x9c: {  	s6 =	simm.s32 $0x0;
	s20 =	sshll.u32 s4, $0x1;
	s4 =	sadd.s32 s21, s2  }
0x9d: {  	[timem:s6], [sflag:s22] =	dma.local [hbm:s4], s20  }
0x9e: {  	_ =	swait.ge [sflag:s22], s20  }
0x9f: {  	s3 =	ssub.s32 $0x0, s20;
	[sflag:s22] =	ssyncset.done $0x0  }
0xa0: {  	[sflag:s22] =	ssyncadd.s32 s3;
	_ =	sdelay $0x1  }
0xa1: {  	s23 =	simm.s32 $0x1B8B  }
0xa2: {  	_ =	swait.ge [sflag:s23], $0x1  }
0xa3: {  	[sflag:s23] =	ssyncset.done $0x0  }
0xa4: {  	s25 =	simm.s32 $0x1B8E;
	s24 =	sld [smem:$0x3FFE];
	[sflag:s23] =	ssyncadd.s32 $0xFFFFFFFF  }
0xa5: {  	s26 =	simm.s32 $execute0_lowered;
	[smem:$0x3FD2] =	sst s25  }
0xa6: {  	s4 =	sshll.u32 s26, $0x1;
	_ =	strace $0x80000049;
	[dreg:$0x1] =	wrdreg $0xFFFFFFFF  }
0xa7: {  	s28 =	simm.s32 $_size_execute0_lowered;
	s2 =	sadd.s32 s2, s4;
	[dreg:$0x0] =	wrdreg $0x0  }
0xa8: {  	s4 =	sshll.u32 s28, $0x1;
	[dreg:$0x2] =	wrdreg s2  }
0xa9: {  	[dreg:$0x3] =	wrdreg s4  }
0xaa: {  	[dreg:$0x4] =	wrdreg $0xC0  }
0xab: {  	_ =	task [dreg:s6], $0x5FFFF  }
0xac: {  	[dreg:$0x1] =	wrdreg $0xFFFFFFFF  }
0xad: {  	[dreg:$0x0] =	wrdreg $0x60  }
0xae: {  	[dreg:$0x2] =	wrdreg s24  }
0xaf: {  	[dreg:$0x3] =	wrdreg $0x90000  }
0xb0: {  	[dreg:$0x4] =	wrdreg $0x9  }
0xb1: {  	_ =	task.clear_ibuf [dreg:s6], $0x5FFFF;
	_ =	strace $0x90000049  }
0xb2: {  	s29 =	simm.s32 $0x9;
	_ =	strace $0x8000004B  }
0xb3: {  	_ =	swait.ge [sflag:s29], $0x1  }
0xb4: {  	[sflag:s29] =	ssyncadd.s32 $0xFFFFFFFF  }
0xb5: {  	_ =	strace $0x9000004B  }
0xb6: {  	_ =	sfence  }
0xb7: {  	s30 =	sld [smem:$0x0];
	_ =	sdelay $0x2  }
0xb8: {  	s31 =	sshll.u32 s1, $0xD;
	s1 =	sshrl.u32 s1, $0x2  }
0xb9: {  	s3 =	sand.u32 $0x4000, s31;
	s1 =	sadd.s32 s1, s30  }
0xba: {  	s0 =	sor.u32 s3, s0;
	s1 =	sshll.u32 s1, $0x11  }
0xbb: {  	s0 =	sor.u32 s1, s0  }
0xbc: {  	s0 =	sadd.s32 $0x8F2B, s0  }
0xbd: {  	[sflag:s0] =	ssyncadd.remote.s32 $0x1  }
0xbe: {  	_ =	sfence.sel $0xFFFF  }
0xbf: {  	[dreg:$0x0] =	wrdreg $0xFFFFFFFF;
	(pc) =	sbr.abs _section_cstart, $3  }
0xc0: {  	[dreg:$0x1] =	wrdreg $0xFFFFFFFF  }
0xc1: {  	_ =	task.clear_ibuf [dreg:s6], $0x2FFFF;
	_ =	strace $0x9FFFFFFF  }
0xc2: {  	(tm) =	ssettm $0x7FFFFFFF  }
0xc3: {  	_ =	shalt  }
tec
execute0_lowered:
.L_overlay_start_1:
0x0: {  	(tag) =	ssettag $0x1  }
0x1: {  	s6 =	rddreg [dreg:$0x0]  }
0x2: {  	s0 =	srdreg.scid;
	s2 =	rddreg [dreg:$0x1]  }
0x3: {  	s3 =	simm.s32 $0x0;
	s15 =	simm.s32 $0x3;
	s16 =	simm.s32 $0x1  }
0x4: {  	s17 =	simm.s32 $0x2;
	s5 =	sand.u32 $0x1, s0;
	s0 =	stileid.u32  }
0x5: {  	s18 =	simm.s32 $0x5000;
	s20 =	simm.s32 $0x0;
	s26 =	smul.u32 $0x14000, s0  }
0x6: {  	[smem:$0x7FF] =	sst s3;
	s1 =	sshll.u32 s5, $0x4;
	s10 =	smul.u32 $0x140000, s5  }
0x7: {  	s8 =	sshll.u32 s0, $0x7;
	s5 =	ssub.s32 $0x2, s5;
	s30 =	smul.u32 $0x50000, s0  }
0x8: {  	s19 =	sshll.u32 s0, $0x6;
	s4 =	sor.u32 s0, s1;
	s1 =	rddreg [dreg:$0x2]  }
0x9: {  	s8 =	sand.u32 $0x380, s8;
	_ =	strace $0x8000004A;
	s12 =	sshrl.u32 s5, $0x1  }
0xa: {  	s7 =	sshrl.u32 s4, $0x3;
	s9 =	smul.u32 $0x500, s4;
	s4 =	sadd.s32 $0x3E000, s6  }
0xb: {  	s29 =	sshrl.u32 s26, $0x3;
	s31 =	sshrl.u32 s30, $0x2;
	s7 =	smul.u32 $0x14000, s7  }
0xc: {  	s12 =	ssub.s32 s5, s12;
	s14 =	sadd.s32 s31, s2;
	s28 =	sadd.s32 s9, s6  }
0xd: {  	s9 =	sadd.s32 s29, s6;
	s7 =	sor.u32 s8, s7;
	s8 =	sadd.s32 s26, s10  }
0xe: {  	s5 =	sadd.s32 $0x16000, s9;
	s10 =	smax.u32 s12, $0x1;
	s7 =	sshrl.u32 s7, $0x3  }
0xf: {  	s12 =	simm.s32 $0x2800;
	s8 =	sshrl.u32 s8, $0x3;
	s11 =	sadd.s32 s7, s6  }
0x10: {  	s13 =	sadd.s32 s8, s6;
	s6 =	sor.u32 $0x1C01, s19;
	s7 =	sadd.s32 $0x2000, s28  }
0x11: {  	s19 =	sor.u32 $0x1C03, s19;
	s8 =	sadd.s32 $0xC000, s11;
	s9 =	sadd.s32 $0x65200, s13  }
0x12: {  	s11 =	sshrl.u32 s14, $0x3;
	s13 =	simm.s32 $0x80;
	s14 =	simm.s32 $0x400  }
.LBB2_1:
0x13: {  	[spmem:s11], [sflag:s6] =	dma.local [hbm:s5], $0x2800  }
0x14: {  	[tilespmem:s12], [sflag:$0x2] =	stream.linear.gather [hbm4b:s7+s3], $0x2800, $0x38;
	[tilespmem:$0x1D000] =	vst v63  }
0x15: {  	_ = 	snop  }
0x16: {  	[tilespmem:s3], [sflag:$0x3] =	stream.strided.gather [hbm4b:s8+s13], $0x2800, s14, s13, $0x38;
	[tilespmem:$0x1D000] =	vst v63  }
0x17: {  	_ =	swait.ge [sflag:s15], $0x2800  }
0x18: {  	[sflag:s15] =	ssyncset.done $0x0  }
0x19: {  	[sflag:s15] =	ssyncadd.s32 $0xFFFFD800  }
0x1a: {  	_ =	swait.ge [sflag:s16], $0x2800  }
0x1b: {  	[sflag:s16] =	ssyncset.done $0x0  }
0x1c: {  	[sflag:s16] =	ssyncadd.s32 $0xFFFFD800  }
0x1d: {  	_ =	swait.ge [sflag:s17], $0x2800  }
0x1e: {  	[sflag:s17] =	ssyncset.done $0x0  }
0x1f: {  	[sflag:s17] =	ssyncadd.s32 $0xFFFFD800  }
0x20: {  	s21 =	simm.s32 $0x0;
	[bflag:$0x0] =	sbarrier.arrive $0xFFFF  }
0x21: {  	[tilespmem:s18], [sflag:$0x3] =	stream.indirect.gather [hbm4b:s4+s13], $0x80, s21, s13, $0xb8;
	[tilespmem:$0x1D000] =	vst v63  }
0x22: {  	_ =	swait.ge [sflag:s15], $0x4000  }
0x23: {  	[sflag:s15] =	ssyncset.done $0x0  }
0x24: {  	s31 =	simm.s32 $0x2800;
	[sflag:s15] =	ssyncadd.s32 $0xFFFFC000  }
0x25: {  	[spmem:s2] =	stream.indirect.scatter.add.f32 [tilespmem:s18], [sflag:$0x3], $0x80, s31, s13, $0xb8;
	[tilespmem:$0x1D000] =	vst v63  }
0x26: {  	_ =	swait.ge [sflag:s15], $0x4000  }
0x27: {  	s22 =	simm.s32 $0x400;
	s21 =	simm.s32 $0x200;
	[sflag:s15] =	ssyncset.done $0x0  }
.LBB2_2:
0x28: {  	s23 =	sshra.s32 s21, $0x2  }
0x29: {  	[sflag:s15] =	ssyncadd.s32 $0xFFFFC000;
	s21 =	smov.u32 s22;
	s24 =	sadd.s32 $0x200, s22  }
0x2a: {  	[tilespmem:s18], [sflag:$0x3] =	stream.indirect.gather [hbm4b:s4+s13], $0x80, s23, s13, $0xb8;
	[tilespmem:$0x1D000] =	vst v63  }
0x2b: {  	p0 =	sne.s32 s22, $0x9E00;
	_ =	swait.ge [sflag:s15], $0x4000  }
.Ltmp0:
0x2c: {  	[sflag:s15] =	ssyncset.done $0x0;
	(pc) =	sbr.rel @p0 .LBB2_2-.Ltmp0, $4  }
0x2d: {  	s22 =	sadd.s32 $0x2800, s23;
	[sflag:s15] =	ssyncadd.s32 $0xFFFFC000  }
0x2e: {  	[spmem:s2] =	stream.indirect.scatter.add.f32 [tilespmem:s18], [sflag:$0x3], $0x80, s22, s13, $0xb8;
	[tilespmem:$0x1D000] =	vst v63  }
0x2f: {  	_ =	swait.ge [sflag:s15], $0x4000  }
0x30: {  	s22 =	smov.u32 s24;
	[sflag:s15] =	ssyncset.done $0x0  }
0x31: {  	s21 =	sshra.s32 s21, $0x2;
	[sflag:s15] =	ssyncadd.s32 $0xFFFFC000  }
0x32: {  	[tilespmem:s18], [sflag:$0x3] =	stream.indirect.gather [hbm4b:s4+s13], $0x80, s21, s13, $0xb8;
	[tilespmem:$0x1D000] =	vst v63  }
0x33: {  	_ =	swait.ge [sflag:s15], $0x4000  }
0x34: {  	[sflag:s15] =	ssyncset.done $0x0  }
0x35: {  	s21 =	sadd.s32 $0x2800, s21;
	[sflag:s15] =	ssyncadd.s32 $0xFFFFC000  }
0x36: {  	[spmem:s2] =	stream.indirect.scatter.add.f32 [tilespmem:s18], [sflag:$0x3], $0x80, s21, s13, $0xb8;
	[tilespmem:$0x1D000] =	vst v63  }
0x37: {  	_ =	swait.ge [sflag:s15], $0x4000  }
0x38: {  	s20 =	sadd.s32 $0x1, s20;
	[sflag:s15] =	ssyncset.done $0x0  }
0x39: {  	p0 =	sne.s32 s20, s10;
	[sflag:s15] =	ssyncadd.s32 $0xFFFFC000  }
.Ltmp1:
0x3a: {  	[bflag:$0x0] =	sbarrier.arrive $0xFFFF;
	(pc) =	sbr.rel @p0 .LBB2_1-.Ltmp1, $4  }
0x3b: {  	[hbm:s9], [sflag:s19] =	dma.local [spmem:s11], $0x2800  }
0x3c: {  	_ =	swait.ge [sflag:s15], $0x2800  }
0x3d: {  	[sflag:s15] =	ssyncset.done $0x0  }
0x3e: {  	[sflag:s15] =	ssyncadd.s32 $0xFFFFD800  }
0x3f: {  	_ =	sfence.sel $0x180000  }
0x40: {  	[bflag:$0x0] =	sbarrier.arrive $0xFFFF  }
0x41: {  	p0 =	sne.s32 s0, $0x0;
	_ =	strace $0x9000004A  }
0x42: {  	s0 =	sadd.s32 @!p0 $0x100000, s1;
	[bflag:$0x2] =	sbarrier.arrive $0xFFFF  }
0x43: {  	[sflag:s0] =	ssyncadd.tile.s32 @!p0 $0x1;
	_ =	shalt  }
.Lfunc_end2:
_tile_overlayer_lowered:
.L_overlay_start_2:
0x44: {  	(tag) =	ssettag $0x2  }
0x45: {  	s0 =	rddreg [dreg:$0x0];
	s2 =	stileid.u32  }
0x46: {  	s1 =	rddreg [dreg:$0x1];
	p0 =	sne.s32 s2, $0x0  }
0x47: {  	s3 =	rddreg [dreg:$0x2];
	[bflag:$0x3] =	sbarrier.arrive $0xFFFF;
	s2 =	simm.s32 @!p0 $0x1C03  }
0x48: {  	[timem:s3], [sflag:s2] =	dma.local @!p0 [hbm:s0], s1  }
0x49: {  	s0 =	simm.s32 @!p0 $0x3  }
0x4a: {  	_ =	swait.ge @!p0 [sflag:s0], s1  }
0x4b: {  	s1 =	ssub.s32 @!p0 $0x0, s1;
	[sflag:s0] =	ssyncset.done @!p0 $0x0  }
0x4c: {  	[sflag:s0] =	ssyncadd.s32 @!p0 s1  }
0x4d: {  	[bflag:$0x3] =	sbarrier.arrive $0xFFFF  }
0x4e: {  	_ =	shalt  }

</sc_bundles>
